<compile_context>
chip_gen: v7x
topology: tpu7x:2x2x1
jax: 0.10.2.dev20260603
libtpu: 0.0.44.dev20260713+nightly
codegen_flags: <defaults>
</compile_context>

<pallas_src>
import functools

import jax
import jax.numpy as jnp
from jax import lax
from jax.experimental import pallas as pl
from jax.experimental.pallas import tpu as pltpu
from jax.experimental.pallas import tpu_sc as plsc

NC = 2
NS = 16
BLK = 128
BR = 512
CH = 8


def _fill2d(ref, nrows, ncols, value):
    vv = jnp.full((16,), value, jnp.float32)
    k = ncols // 16

    def body(i, carry):
        r = i // k
        cidx = i % k
        ref[r, pl.ds(cidx * 16, 16)] = vv
        return carry

    lax.fori_loop(0, nrows * k, body, 0)


def _make_segsum(npad, d, nb, with_deg):
    rows_per_tile = npad // NS
    zchunks = rows_per_tile // BLK
    hr = npad // 128
    hwt = hr // 8

    out_type = [jax.ShapeDtypeStruct((NC, npad, d), jnp.float32)]
    scratch = [
        pltpu.VMEM((CH, BLK), jnp.int32),
        pltpu.VMEM((CH, BLK), jnp.int32),
        pltpu.VMEM((BLK, d), jnp.float32),
        pltpu.VMEM((BLK, d), jnp.float32),
        pltpu.VMEM_SHARED((npad, d), jnp.float32),
        pltpu.SemaphoreType.DMA,
        pltpu.SemaphoreType.DMA,
    ]
    if with_deg:
        out_type.append(jax.ShapeDtypeStruct((NC, hr, 128), jnp.float32))
        scratch += [
            pltpu.VMEM((hr, 128), jnp.float32),
            pltpu.VMEM((hr,), jnp.int32),
            pltpu.VMEM_SHARED((hr, 128), jnp.float32),
        ]

    mesh = plsc.VectorSubcoreMesh(core_axis_name="c", subcore_axis_name="s")

    def body(*refs):
        if with_deg:
            (y, srcb, dstb, part, deg_out, src_v, dst_v, rows_a, rows_b,
             acc, sem_a, sem_b, hist, hrows, sh_deg) = refs
        else:
            (y, srcb, dstb, part, src_v, dst_v, rows_a, rows_b, acc,
             sem_a, sem_b) = refs

        c = lax.axis_index("c")
        s = lax.axis_index("s")
        wid = c * NS + s
        base = s * rows_per_tile

        _fill2d(rows_a, BLK, d, 0.0)
        for k in range(zchunks):
            pltpu.sync_copy(rows_a, acc.at[pl.ds(base + k * BLK, BLK), :])
        if with_deg:
            _fill2d(hist, hr, 128, 0.0)
            iv = lax.iota(jnp.int32, 16)
            for r in range(hr // 16):
                hrows[pl.ds(r * 16, 16)] = iv + (16 * r)

            @pl.when(s < hwt)
            def _():
                pltpu.sync_copy(hist.at[pl.ds(0, 8)],
                                sh_deg.at[pl.ds(s * 8, 8), :])
        plsc.subcore_barrier()

        ones16 = jnp.full((16,), 1.0, jnp.float32)

        def chunk(o, carry):
            pltpu.sync_copy(srcb.at[wid, pl.ds(o * CH, CH)], src_v)
            pltpu.sync_copy(dstb.at[wid, pl.ds(o * CH, CH)], dst_v)

            def pair(p, carry2):
                j0 = 2 * p
                j1 = 2 * p + 1
                h0 = pltpu.async_copy(y.at[src_v.at[j0]], rows_a, sem_a)
                h1 = pltpu.async_copy(y.at[src_v.at[j1]], rows_b, sem_b)
                if with_deg:
                    for j in (j0, j1):
                        for k in range(BLK // 16):
                            dv = dst_v[j, pl.ds(k * 16, 16)]
                            row = jnp.right_shift(dv, 7)
                            col = jnp.bitwise_and(dv, 127)
                            plsc.addupdate_scatter(hist, [row, col], ones16)
                h0.wait()
                pltpu.sync_copy(rows_a, acc.at[dst_v.at[j0]], add=True)
                h1.wait()
                pltpu.sync_copy(rows_b, acc.at[dst_v.at[j1]], add=True)
                return carry2

            return lax.fori_loop(0, CH // 2, pair, carry)

        lax.fori_loop(0, nb // CH, chunk, 0)
        plsc.subcore_barrier()

        pltpu.sync_copy(acc.at[pl.ds(base, rows_per_tile), :],
                        part.at[c, pl.ds(base, rows_per_tile), :])

        if with_deg:
            pltpu.sync_copy(hist, sh_deg.at[hrows], add=True)
            plsc.subcore_barrier()

            @pl.when(s < hwt)
            def _():
                pltpu.sync_copy(sh_deg.at[pl.ds(s * 8, 8), :],
                                deg_out.at[c, pl.ds(s * 8, 8), :])

    return pl.kernel(
        body, out_type=out_type, mesh=mesh, scratch_types=scratch,
        compiler_params=pltpu.CompilerParams(needs_layout_passes=False))


def _lin_body(x_ref, wl_ref, wr_ref, b_ref, y_ref, z_ref):
    xb = x_ref[...]
    dn = (((1,), (1,)), ((), ()))
    y_ref[...] = lax.dot_general(xb, wl_ref[...], dn,
                                 preferred_element_type=jnp.float32)
    z_ref[...] = lax.dot_general(xb, wr_ref[...], dn,
                                 preferred_element_type=jnp.float32) + b_ref[...]


def _lin(xp, wl, wr, b, npad, d):
    return pl.pallas_call(
        _lin_body,
        grid=(npad // BR,),
        in_specs=[pl.BlockSpec((BR, d), lambda i: (i, 0)),
                  pl.BlockSpec((d, d), lambda i: (0, 0)),
                  pl.BlockSpec((d, d), lambda i: (0, 0)),
                  pl.BlockSpec((1, d), lambda i: (0, 0))],
        out_specs=[pl.BlockSpec((BR, d), lambda i: (i, 0)),
                   pl.BlockSpec((BR, d), lambda i: (i, 0))],
        out_shape=[jax.ShapeDtypeStruct((npad, d), jnp.float32)] * 2,
    )(xp, wl, wr, b.reshape(1, d))


def _mid_body(part_ref, deg_ref, z1_ref, wl_ref, wr_ref, b_ref,
              y2_ref, z2_ref):
    p = part_ref[...]
    dg = deg_ref[...]
    inv = 1.0 / jnp.maximum(dg[0] + dg[1], 1.0)
    h = jnp.maximum((p[0] + p[1]) * inv + z1_ref[...], 0.0)
    dn = (((1,), (1,)), ((), ()))
    y2_ref[...] = lax.dot_general(h, wl_ref[...], dn,
                                  preferred_element_type=jnp.float32)
    z2_ref[...] = lax.dot_general(h, wr_ref[...], dn,
                                  preferred_element_type=jnp.float32) + b_ref[...]


def _mid(part, degr, z1, wl, wr, b, npad, d):
    return pl.pallas_call(
        _mid_body,
        grid=(npad // BR,),
        in_specs=[pl.BlockSpec((NC, BR, d), lambda i: (0, i, 0)),
                  pl.BlockSpec((NC, BR, 1), lambda i: (0, i, 0)),
                  pl.BlockSpec((BR, d), lambda i: (i, 0)),
                  pl.BlockSpec((d, d), lambda i: (0, 0)),
                  pl.BlockSpec((d, d), lambda i: (0, 0)),
                  pl.BlockSpec((1, d), lambda i: (0, 0))],
        out_specs=[pl.BlockSpec((BR, d), lambda i: (i, 0)),
                   pl.BlockSpec((BR, d), lambda i: (i, 0))],
        out_shape=[jax.ShapeDtypeStruct((npad, d), jnp.float32)] * 2,
    )(part, degr, z1, wl, wr, b.reshape(1, d))


def _fin_body(part_ref, deg_ref, z2_ref, o_ref):
    p = part_ref[...]
    dg = deg_ref[...]
    inv = 1.0 / jnp.maximum(dg[0] + dg[1], 1.0)
    o = (p[0] + p[1]) * inv + z2_ref[...]
    m = jnp.max(o, axis=1, keepdims=True)
    e = jnp.exp(o - m)
    lse = jnp.log(jnp.sum(e, axis=1, keepdims=True))
    o_ref[...] = o - m - lse


def _fin(part, degr, z2, npad, d):
    return pl.pallas_call(
        _fin_body,
        grid=(npad // BR,),
        in_specs=[pl.BlockSpec((NC, BR, d), lambda i: (0, i, 0)),
                  pl.BlockSpec((NC, BR, 1), lambda i: (0, i, 0)),
                  pl.BlockSpec((BR, d), lambda i: (i, 0))],
        out_specs=pl.BlockSpec((BR, d), lambda i: (i, 0)),
        out_shape=jax.ShapeDtypeStruct((npad, d), jnp.float32),
    )(part, degr, z2)


def kernel(x, edge_index, Wl1, Wr1, b1, Wl2, Wr2, b2):
    n, d = x.shape
    e = edge_index.shape[1]
    npad = -(-max(n + 1, BR) // BR) * BR
    nb = -(-(-(-e // (NC * NS * BLK))) // CH) * CH
    ep = NC * NS * nb * BLK

    ei = edge_index.astype(jnp.int32)
    src = ei[0]
    dst = ei[1]
    pad = ep - e
    if pad:
        src = jnp.concatenate([src, jnp.zeros((pad,), jnp.int32)])
        dst = jnp.concatenate([dst, jnp.full((pad,), n, jnp.int32)])
    srcb = src.reshape(NC * NS, nb, BLK)
    dstb = dst.reshape(NC * NS, nb, BLK)
    xp = jnp.pad(x, ((0, npad - n), (0, 0)))

    y1, z1 = _lin(xp, Wl1, Wr1, b1, npad, d)
    part1, deg = _make_segsum(npad, d, nb, True)(y1, srcb, dstb)
    degr = deg.reshape(NC, npad, 1)
    y2, z2 = _mid(part1, degr, z1, Wl2, Wr2, b2, npad, d)
    part2 = _make_segsum(npad, d, nb, False)(y2, srcb, dstb)[0]
    out = _fin(part2, degr, z2, npad, d)
    return out[:n]

# --- scband reference (transcript-rebuilt; emitter-appended) ---
"""Pipeline reference for scband-graph-sage-11948599017537 (READ-ONLY COPY).

The authoritative reference and input builder live on the scoring server;
editing this copy changes nothing except your own understanding.
"""

import jax, jax.numpy as jnp
import numpy as np

N = 10000
E = 320000
D_IN = 128
D_HID = 128
D_OUT = 128


def setup_inputs(seed: int = 0) -> dict:
    key = jax.random.key(seed)
    ks = jax.random.split(key, 8)
    x = jax.random.normal(ks[0], (N, D_IN), dtype=jnp.float32)
    edge_index = jax.random.randint(ks[1], (2, E), 0, N, dtype=jnp.int32).astype(jnp.int64)
    s1 = 1.0 / np.sqrt(D_IN)
    s2 = 1.0 / np.sqrt(D_HID)
    Wl1 = jax.random.normal(ks[2], (D_HID, D_IN), dtype=jnp.float32) * s1
    Wr1 = jax.random.normal(ks[3], (D_HID, D_IN), dtype=jnp.float32) * s1
    b1 = jnp.zeros((D_HID,), dtype=jnp.float32)
    Wl2 = jax.random.normal(ks[4], (D_OUT, D_HID), dtype=jnp.float32) * s2
    Wr2 = jax.random.normal(ks[5], (D_OUT, D_HID), dtype=jnp.float32) * s2
    b2 = jnp.zeros((D_OUT,), dtype=jnp.float32)
    return {"x": x, "edge_index": edge_index, "Wl1": Wl1, "Wr1": Wr1, "b1": b1, "Wl2": Wl2, "Wr2": Wr2, "b2": b2}


def sage_conv(x, src, dst, Wl, Wr, b):
    # PyG SAGEConv with mean aggregation:
    # out_i = W_l @ mean_{j in N(i)} x_j + W_r @ x_i + b
    n = x.shape[0]
    msg = jnp.take(x, src, axis=0)                         # gather (SparseCore)
    agg = jax.ops.segment_sum(msg, dst, num_segments=n)    # scatter-add
    deg = jax.ops.segment_sum(jnp.ones((src.shape[0],), x.dtype), dst, num_segments=n)
    agg = agg / jnp.maximum(deg, 1.0)[:, None]
    return agg @ Wl.T + x @ Wr.T + b


def reference(x, edge_index, Wl1, Wr1, b1, Wl2, Wr2, b2):
    src = edge_index[0]
    dst = edge_index[1]
    h = jax.nn.relu(sage_conv(x, src, dst, Wl1, Wr1, b1))
    out = sage_conv(h, src, dst, Wl2, Wr2, b2)
    return jax.nn.log_softmax(out, axis=1)

if __name__ == "__main__":
    import jax
    _d = setup_inputs()
    print(jax.jit(kernel)(*tuple(_d.values())))

</pallas_src>

<mosaic_0001>
#map = affine_map<(d0, d1) -> (0, 0)>
#map1 = affine_map<(d0, d1) -> (0, 0, 0)>
module attributes {stable_mosaic.version = 14 : i64} {
  func.func @body(%arg0: i32, %arg1: i32, %arg2: memref<10240x128xf32, #tpu.memory_space<hbm>>, %arg3: memref<32x80x128xi32, #tpu.memory_space<hbm>>, %arg4: memref<32x80x128xi32, #tpu.memory_space<hbm>>, %arg5: memref<2x10240x128xf32, #tpu.memory_space<hbm>>, %arg6: memref<8x128xi32, #tpu.memory_space<vmem>>, %arg7: memref<8x128xi32, #tpu.memory_space<vmem>>, %arg8: memref<128x128xf32, #tpu.memory_space<vmem>>, %arg9: memref<128x128xf32, #tpu.memory_space<vmem>>, %arg10: memref<10240x128xf32, #tpu.memory_space<vmem_shared>>, %arg11: memref<!tpu.dma_semaphore, #tpu.memory_space<semaphore_mem>>, %arg12: memref<!tpu.dma_semaphore, #tpu.memory_space<semaphore_mem>>) attributes {dimension_semantics = [#tpu.dimension_semantics<core_parallel>, #tpu.dimension_semantics<subcore_parallel>], iteration_bounds = array<i64: 2, 16>, scalar_prefetch = 0 : i64, scratch_operands = 7 : i64, tpu.core_type = #tpu.core_type<sc_vector_subcore>, window_params = [{transform_indices = #map}, {transform_indices = #map1}, {transform_indices = #map1}, {transform_indices = #map1}]} {
    %mul3A = arith.constant 16 : i32
    %mul3A_0 = arith.muli %arg0, %mul3A : i32
    %add3A = arith.addi %mul3A_0, %arg1 : i32
    %mul3A_1 = arith.constant 640 : i32
    %mul3A_2 = arith.muli %arg1, %mul3A_1 : i32
    %broadcast_in_dim3A = arith.constant 0.000000e+00 : f32
    %broadcast_in_dim3A_3 = vector.broadcast %broadcast_in_dim3A : f32 to vector<16xf32>
    %scan3A = arith.constant 0 : i32
    %scan3A_4 = arith.constant 0 : i32
    %scan3A_5 = arith.constant 1024 : i32
    %scan3A_6 = arith.addi %scan3A_4, %scan3A_5 : i32
    %scan3A_7 = arith.constant 1 : i32
    scf.for %scan3A_28 = %scan3A_4 to %scan3A_6 step %scan3A_7  : i32 {
      %jit3A = arith.constant 8 : i32
      %div3A = arith.divsi %scan3A_28, %jit3A : i32
      %sign3A = arith.constant 0 : i32
      %sign3A_29 = arith.cmpi sgt, %scan3A_28, %sign3A : i32
      %sign3A_30 = arith.extui %sign3A_29 : i1 to i32
      %sign3A_31 = arith.constant 0 : i32
      %sign3A_32 = arith.cmpi slt, %scan3A_28, %sign3A_31 : i32
      %sign3A_33 = arith.extui %sign3A_32 : i1 to i32
      %sign3A_34 = arith.subi %sign3A_30, %sign3A_33 : i32
      %sign3A_35 = arith.constant 0 : i32
      %sign3A_36 = arith.cmpi sgt, %jit3A, %sign3A_35 : i32
      %sign3A_37 = arith.extui %sign3A_36 : i1 to i32
      %sign3A_38 = arith.constant 0 : i32
      %sign3A_39 = arith.cmpi slt, %jit3A, %sign3A_38 : i32
      %sign3A_40 = arith.extui %sign3A_39 : i1 to i32
      %sign3A_41 = arith.subi %sign3A_37, %sign3A_40 : i32
      %ne3A = arith.cmpi ne, %sign3A_34, %sign3A_41 : i32
      %rem3A = arith.remsi %scan3A_28, %jit3A : i32
      %ne3A_42 = arith.constant 0 : i32
      %ne3A_43 = arith.cmpi ne, %rem3A, %ne3A_42 : i32
      %and3A = arith.andi %ne3A, %ne3A_43 : i1
      %sub3A = arith.constant 1 : i32
      %sub3A_44 = arith.subi %div3A, %sub3A : i32
      %select_n3A = arith.select %and3A, %sub3A_44, %div3A : i32
      %jit3A_45 = arith.constant 8 : i32
      %eq3A = arith.constant 0 : i32
      %eq3A_46 = arith.cmpi eq, %jit3A_45, %eq3A : i32
      %jit3A_47 = arith.constant 1 : i32
      %select_n3A_48 = arith.select %eq3A_46, %jit3A_47, %jit3A_45 : i32
      %rem3A_49 = arith.remsi %scan3A_28, %select_n3A_48 : i32
      %ne3A_50 = arith.constant 0 : i32
      %ne3A_51 = arith.cmpi ne, %rem3A_49, %ne3A_50 : i32
      %lt3A = arith.constant 0 : i32
      %lt3A_52 = arith.cmpi slt, %rem3A_49, %lt3A : i32
      %lt3A_53 = arith.constant 0 : i32
      %lt3A_54 = arith.cmpi slt, %select_n3A_48, %lt3A_53 : i32
      %ne3A_55 = arith.xori %lt3A_52, %lt3A_54 : i1
      %and3A_56 = arith.andi %ne3A_55, %ne3A_51 : i1
      %add3A_57 = arith.addi %rem3A_49, %select_n3A_48 : i32
      %select_n3A_58 = arith.select %and3A_56, %add3A_57, %rem3A_49 : i32
      %mul3A_59 = arith.constant 16 : i32
      %mul3A_60 = arith.muli %select_n3A_58, %mul3A_59 : i32
      %swap3A = arith.index_cast %select_n3A : i32 to index
      %swap3A_61 = arith.index_cast %mul3A_60 : i32 to index
      %swap3A_62 = tpu.vector_load %arg8[%swap3A, %swap3A_61] {strides = array<i32>} : memref<128x128xf32, #tpu.memory_space<vmem>>, vector<16xf32>,
      tpu.vector_store %arg8[%swap3A, %swap3A_61], %broadcast_in_dim3A_3 {strides = array<i32>} : memref<128x128xf32, #tpu.memory_space<vmem>>, vector<16xf32>,
    }
    %scan3A_8 = arith.constant 1024 : i32
    %add3A_9 = arith.constant 0 : i32
    %add3A_10 = arith.addi %mul3A_2, %add3A_9 : i32
    "tpu.region"() ({
      %run_scoped3A = tpu.sem_alloc : memref<!tpu.dma_semaphore, #tpu.memory_space<semaphore_mem>>
      %dma_start3A = arith.constant 0 : i32
      %dma_start3A_28 = tpu.memref_slice %arg10[%add3A_10, %dma_start3A] : memref<10240x128xf32, #tpu.memory_space<vmem_shared>> -> memref<128x128xf32, #tpu.memory_space<vmem_shared>>
      %dma_start3A_29 = arith.constant 0 : i32
      %dma_start3A_30 = tpu.memref_slice %arg10[%add3A_10, %dma_start3A_29] : memref<10240x128xf32, #tpu.memory_space<vmem_shared>> -> memref<128x128xf32, #tpu.memory_space<vmem_shared>>
      tpu.enqueue_dma source(%arg8 : memref<128x128xf32, #tpu.memory_space<vmem>>) target(%dma_start3A_30 : memref<128x128xf32, #tpu.memory_space<vmem_shared>>) target_semaphore(%run_scoped3A : memref<!tpu.dma_semaphore, #tpu.memory_space<semaphore_mem>>)
      %dma_wait3A = arith.constant 0 : i32
      %dma_wait3A_31 = tpu.memref_slice %arg10[%add3A_10, %dma_wait3A] : memref<10240x128xf32, #tpu.memory_space<vmem_shared>> -> memref<128x128xf32, #tpu.memory_space<vmem_shared>>
      %dma_wait3A_32 = arith.constant 0 : i32
      %dma_wait3A_33 = tpu.memref_slice %arg10[%add3A_10, %dma_wait3A_32] : memref<10240x128xf32, #tpu.memory_space<vmem_shared>> -> memref<128x128xf32, #tpu.memory_space<vmem_shared>>
      tpu.wait_dma2 semaphore(%run_scoped3A : memref<!tpu.dma_semaphore, #tpu.memory_space<semaphore_mem>>) src(%arg8 : memref<128x128xf32, #tpu.memory_space<vmem>>) dst(%dma_wait3A_33 : memref<128x128xf32, #tpu.memory_space<vmem_shared>>)
      tpu.yield
    }) : () -> ()
    %add3A_11 = arith.constant 128 : i32
    %add3A_12 = arith.addi %mul3A_2, %add3A_11 : i32
    "tpu.region"() ({
      %run_scoped3A = tpu.sem_alloc : memref<!tpu.dma_semaphore, #tpu.memory_space<semaphore_mem>>
      %dma_start3A = arith.constant 0 : i32
      %dma_start3A_28 = tpu.memref_slice %arg10[%add3A_12, %dma_start3A] : memref<10240x128xf32, #tpu.memory_space<vmem_shared>> -> memref<128x128xf32, #tpu.memory_space<vmem_shared>>
      %dma_start3A_29 = arith.constant 0 : i32
      %dma_start3A_30 = tpu.memref_slice %arg10[%add3A_12, %dma_start3A_29] : memref<10240x128xf32, #tpu.memory_space<vmem_shared>> -> memref<128x128xf32, #tpu.memory_space<vmem_shared>>
      tpu.enqueue_dma source(%arg8 : memref<128x128xf32, #tpu.memory_space<vmem>>) target(%dma_start3A_30 : memref<128x128xf32, #tpu.memory_space<vmem_shared>>) target_semaphore(%run_scoped3A : memref<!tpu.dma_semaphore, #tpu.memory_space<semaphore_mem>>)
      %dma_wait3A = arith.constant 0 : i32
      %dma_wait3A_31 = tpu.memref_slice %arg10[%add3A_12, %dma_wait3A] : memref<10240x128xf32, #tpu.memory_space<vmem_shared>> -> memref<128x128xf32, #tpu.memory_space<vmem_shared>>
      %dma_wait3A_32 = arith.constant 0 : i32
      %dma_wait3A_33 = tpu.memref_slice %arg10[%add3A_12, %dma_wait3A_32] : memref<10240x128xf32, #tpu.memory_space<vmem_shared>> -> memref<128x128xf32, #tpu.memory_space<vmem_shared>>
      tpu.wait_dma2 semaphore(%run_scoped3A : memref<!tpu.dma_semaphore, #tpu.memory_space<semaphore_mem>>) src(%arg8 : memref<128x128xf32, #tpu.memory_space<vmem>>) dst(%dma_wait3A_33 : memref<128x128xf32, #tpu.memory_space<vmem_shared>>)
      tpu.yield
    }) : () -> ()
    %add3A_13 = arith.constant 256 : i32
    %add3A_14 = arith.addi %mul3A_2, %add3A_13 : i32
    "tpu.region"() ({
      %run_scoped3A = tpu.sem_alloc : memref<!tpu.dma_semaphore, #tpu.memory_space<semaphore_mem>>
      %dma_start3A = arith.constant 0 : i32
      %dma_start3A_28 = tpu.memref_slice %arg10[%add3A_14, %dma_start3A] : memref<10240x128xf32, #tpu.memory_space<vmem_shared>> -> memref<128x128xf32, #tpu.memory_space<vmem_shared>>
      %dma_start3A_29 = arith.constant 0 : i32
      %dma_start3A_30 = tpu.memref_slice %arg10[%add3A_14, %dma_start3A_29] : memref<10240x128xf32, #tpu.memory_space<vmem_shared>> -> memref<128x128xf32, #tpu.memory_space<vmem_shared>>
      tpu.enqueue_dma source(%arg8 : memref<128x128xf32, #tpu.memory_space<vmem>>) target(%dma_start3A_30 : memref<128x128xf32, #tpu.memory_space<vmem_shared>>) target_semaphore(%run_scoped3A : memref<!tpu.dma_semaphore, #tpu.memory_space<semaphore_mem>>)
      %dma_wait3A = arith.constant 0 : i32
      %dma_wait3A_31 = tpu.memref_slice %arg10[%add3A_14, %dma_wait3A] : memref<10240x128xf32, #tpu.memory_space<vmem_shared>> -> memref<128x128xf32, #tpu.memory_space<vmem_shared>>
      %dma_wait3A_32 = arith.constant 0 : i32
      %dma_wait3A_33 = tpu.memref_slice %arg10[%add3A_14, %dma_wait3A_32] : memref<10240x128xf32, #tpu.memory_space<vmem_shared>> -> memref<128x128xf32, #tpu.memory_space<vmem_shared>>
      tpu.wait_dma2 semaphore(%run_scoped3A : memref<!tpu.dma_semaphore, #tpu.memory_space<semaphore_mem>>) src(%arg8 : memref<128x128xf32, #tpu.memory_space<vmem>>) dst(%dma_wait3A_33 : memref<128x128xf32, #tpu.memory_space<vmem_shared>>)
      tpu.yield
    }) : () -> ()
    %add3A_15 = arith.constant 384 : i32
    %add3A_16 = arith.addi %mul3A_2, %add3A_15 : i32
    "tpu.region"() ({
      %run_scoped3A = tpu.sem_alloc : memref<!tpu.dma_semaphore, #tpu.memory_space<semaphore_mem>>
      %dma_start3A = arith.constant 0 : i32
      %dma_start3A_28 = tpu.memref_slice %arg10[%add3A_16, %dma_start3A] : memref<10240x128xf32, #tpu.memory_space<vmem_shared>> -> memref<128x128xf32, #tpu.memory_space<vmem_shared>>
      %dma_start3A_29 = arith.constant 0 : i32
      %dma_start3A_30 = tpu.memref_slice %arg10[%add3A_16, %dma_start3A_29] : memref<10240x128xf32, #tpu.memory_space<vmem_shared>> -> memref<128x128xf32, #tpu.memory_space<vmem_shared>>
      tpu.enqueue_dma source(%arg8 : memref<128x128xf32, #tpu.memory_space<vmem>>) target(%dma_start3A_30 : memref<128x128xf32, #tpu.memory_space<vmem_shared>>) target_semaphore(%run_scoped3A : memref<!tpu.dma_semaphore, #tpu.memory_space<semaphore_mem>>)
      %dma_wait3A = arith.constant 0 : i32
      %dma_wait3A_31 = tpu.memref_slice %arg10[%add3A_16, %dma_wait3A] : memref<10240x128xf32, #tpu.memory_space<vmem_shared>> -> memref<128x128xf32, #tpu.memory_space<vmem_shared>>
      %dma_wait3A_32 = arith.constant 0 : i32
      %dma_wait3A_33 = tpu.memref_slice %arg10[%add3A_16, %dma_wait3A_32] : memref<10240x128xf32, #tpu.memory_space<vmem_shared>> -> memref<128x128xf32, #tpu.memory_space<vmem_shared>>
      tpu.wait_dma2 semaphore(%run_scoped3A : memref<!tpu.dma_semaphore, #tpu.memory_space<semaphore_mem>>) src(%arg8 : memref<128x128xf32, #tpu.memory_space<vmem>>) dst(%dma_wait3A_33 : memref<128x128xf32, #tpu.memory_space<vmem_shared>>)
      tpu.yield
    }) : () -> ()
    %add3A_17 = arith.constant 512 : i32
    %add3A_18 = arith.addi %mul3A_2, %add3A_17 : i32
    "tpu.region"() ({
      %run_scoped3A = tpu.sem_alloc : memref<!tpu.dma_semaphore, #tpu.memory_space<semaphore_mem>>
      %dma_start3A = arith.constant 0 : i32
      %dma_start3A_28 = tpu.memref_slice %arg10[%add3A_18, %dma_start3A] : memref<10240x128xf32, #tpu.memory_space<vmem_shared>> -> memref<128x128xf32, #tpu.memory_space<vmem_shared>>
      %dma_start3A_29 = arith.constant 0 : i32
      %dma_start3A_30 = tpu.memref_slice %arg10[%add3A_18, %dma_start3A_29] : memref<10240x128xf32, #tpu.memory_space<vmem_shared>> -> memref<128x128xf32, #tpu.memory_space<vmem_shared>>
      tpu.enqueue_dma source(%arg8 : memref<128x128xf32, #tpu.memory_space<vmem>>) target(%dma_start3A_30 : memref<128x128xf32, #tpu.memory_space<vmem_shared>>) target_semaphore(%run_scoped3A : memref<!tpu.dma_semaphore, #tpu.memory_space<semaphore_mem>>)
      %dma_wait3A = arith.constant 0 : i32
      %dma_wait3A_31 = tpu.memref_slice %arg10[%add3A_18, %dma_wait3A] : memref<10240x128xf32, #tpu.memory_space<vmem_shared>> -> memref<128x128xf32, #tpu.memory_space<vmem_shared>>
      %dma_wait3A_32 = arith.constant 0 : i32
      %dma_wait3A_33 = tpu.memref_slice %arg10[%add3A_18, %dma_wait3A_32] : memref<10240x128xf32, #tpu.memory_space<vmem_shared>> -> memref<128x128xf32, #tpu.memory_space<vmem_shared>>
      tpu.wait_dma2 semaphore(%run_scoped3A : memref<!tpu.dma_semaphore, #tpu.memory_space<semaphore_mem>>) src(%arg8 : memref<128x128xf32, #tpu.memory_space<vmem>>) dst(%dma_wait3A_33 : memref<128x128xf32, #tpu.memory_space<vmem_shared>>)
      tpu.yield
    }) : () -> ()
    %barrier3A = arith.constant 0 : index
    tpu.barrier barrier_id(%barrier3A)
    %broadcast_in_dim3A_19 = arith.constant 1.000000e+00 : f32
    %broadcast_in_dim3A_20 = vector.broadcast %broadcast_in_dim3A_19 : f32 to vector<16xf32>
    %scan3A_21 = arith.constant 0 : i32
    %scan3A_22 = arith.constant 0 : i32
    %scan3A_23 = arith.constant 10 : i32
    %scan3A_24 = arith.addi %scan3A_22, %scan3A_23 : i32
    %scan3A_25 = arith.constant 1 : i32
    scf.for %scan3A_28 = %scan3A_22 to %scan3A_24 step %scan3A_25  : i32 {
      %mul3A_29 = arith.constant 8 : i32
      %mul3A_30 = arith.muli %scan3A_28, %mul3A_29 : i32
      "tpu.region"() ({
        %run_scoped3A = tpu.sem_alloc : memref<!tpu.dma_semaphore, #tpu.memory_space<semaphore_mem>>
        %dma_start3A = arith.constant 0 : i32
        %dma_start3A_38 = tpu.memref_slice %arg3[%add3A, %mul3A_30, %dma_start3A] : memref<32x80x128xi32, #tpu.memory_space<hbm>> -> memref<1x8x128xi32, #tpu.memory_space<hbm>>
        %dma_start3A_39 = tpu.memref_squeeze %dma_start3A_38 : memref<1x8x128xi32, #tpu.memory_space<hbm>> -> memref<8x128xi32, #tpu.memory_space<hbm>>
        %dma_start3A_40 = arith.constant 0 : i32
        %dma_start3A_41 = tpu.memref_slice %arg3[%add3A, %mul3A_30, %dma_start3A_40] : memref<32x80x128xi32, #tpu.memory_space<hbm>> -> memref<1x8x128xi32, #tpu.memory_space<hbm>>
        %dma_start3A_42 = tpu.memref_squeeze %dma_start3A_41 : memref<1x8x128xi32, #tpu.memory_space<hbm>> -> memref<8x128xi32, #tpu.memory_space<hbm>>
        tpu.enqueue_dma source(%dma_start3A_42 : memref<8x128xi32, #tpu.memory_space<hbm>>) target(%arg6 : memref<8x128xi32, #tpu.memory_space<vmem>>) target_semaphore(%run_scoped3A : memref<!tpu.dma_semaphore, #tpu.memory_space<semaphore_mem>>)
        %dma_wait3A = arith.constant 0 : i32
        %dma_wait3A_43 = tpu.memref_slice %arg3[%add3A, %mul3A_30, %dma_wait3A] : memref<32x80x128xi32, #tpu.memory_space<hbm>> -> memref<1x8x128xi32, #tpu.memory_space<hbm>>
        %dma_wait3A_44 = tpu.memref_squeeze %dma_wait3A_43 : memref<1x8x128xi32, #tpu.memory_space<hbm>> -> memref<8x128xi32, #tpu.memory_space<hbm>>
        %dma_wait3A_45 = arith.constant 0 : i32
        %dma_wait3A_46 = tpu.memref_slice %arg3[%add3A, %mul3A_30, %dma_wait3A_45] : memref<32x80x128xi32, #tpu.memory_space<hbm>> -> memref<1x8x128xi32, #tpu.memory_space<hbm>>
        %dma_wait3A_47 = tpu.memref_squeeze %dma_wait3A_46 : memref<1x8x128xi32, #tpu.memory_space<hbm>> -> memref<8x128xi32, #tpu.memory_space<hbm>>
        tpu.wait_dma2 semaphore(%run_scoped3A : memref<!tpu.dma_semaphore, #tpu.memory_space<semaphore_mem>>) src(%dma_wait3A_47 : memref<8x128xi32, #tpu.memory_space<hbm>>) dst(%arg6 : memref<8x128xi32, #tpu.memory_space<vmem>>)
        tpu.yield
      }) : () -> ()
      %mul3A_31 = arith.constant 8 : i32
      %mul3A_32 = arith.muli %scan3A_28, %mul3A_31 : i32
      "tpu.region"() ({
        %run_scoped3A = tpu.sem_alloc : memref<!tpu.dma_semaphore, #tpu.memory_space<semaphore_mem>>
        %dma_start3A = arith.constant 0 : i32
        %dma_start3A_38 = tpu.memref_slice %arg4[%add3A, %mul3A_32, %dma_start3A] : memref<32x80x128xi32, #tpu.memory_space<hbm>> -> memref<1x8x128xi32, #tpu.memory_space<hbm>>
        %dma_start3A_39 = tpu.memref_squeeze %dma_start3A_38 : memref<1x8x128xi32, #tpu.memory_space<hbm>> -> memref<8x128xi32, #tpu.memory_space<hbm>>
        %dma_start3A_40 = arith.constant 0 : i32
        %dma_start3A_41 = tpu.memref_slice %arg4[%add3A, %mul3A_32, %dma_start3A_40] : memref<32x80x128xi32, #tpu.memory_space<hbm>> -> memref<1x8x128xi32, #tpu.memory_space<hbm>>
        %dma_start3A_42 = tpu.memref_squeeze %dma_start3A_41 : memref<1x8x128xi32, #tpu.memory_space<hbm>> -> memref<8x128xi32, #tpu.memory_space<hbm>>
        tpu.enqueue_dma source(%dma_start3A_42 : memref<8x128xi32, #tpu.memory_space<hbm>>) target(%arg7 : memref<8x128xi32, #tpu.memory_space<vmem>>) target_semaphore(%run_scoped3A : memref<!tpu.dma_semaphore, #tpu.memory_space<semaphore_mem>>)
        %dma_wait3A = arith.constant 0 : i32
        %dma_wait3A_43 = tpu.memref_slice %arg4[%add3A, %mul3A_32, %dma_wait3A] : memref<32x80x128xi32, #tpu.memory_space<hbm>> -> memref<1x8x128xi32, #tpu.memory_space<hbm>>
        %dma_wait3A_44 = tpu.memref_squeeze %dma_wait3A_43 : memref<1x8x128xi32, #tpu.memory_space<hbm>> -> memref<8x128xi32, #tpu.memory_space<hbm>>
        %dma_wait3A_45 = arith.constant 0 : i32
        %dma_wait3A_46 = tpu.memref_slice %arg4[%add3A, %mul3A_32, %dma_wait3A_45] : memref<32x80x128xi32, #tpu.memory_space<hbm>> -> memref<1x8x128xi32, #tpu.memory_space<hbm>>
        %dma_wait3A_47 = tpu.memref_squeeze %dma_wait3A_46 : memref<1x8x128xi32, #tpu.memory_space<hbm>> -> memref<8x128xi32, #tpu.memory_space<hbm>>
        tpu.wait_dma2 semaphore(%run_scoped3A : memref<!tpu.dma_semaphore, #tpu.memory_space<semaphore_mem>>) src(%dma_wait3A_47 : memref<8x128xi32, #tpu.memory_space<hbm>>) dst(%arg7 : memref<8x128xi32, #tpu.memory_space<vmem>>)
        tpu.yield
      }) : () -> ()
      %scan3A_33 = arith.constant 0 : i32
      %scan3A_34 = arith.constant 4 : i32
      %scan3A_35 = arith.addi %scan3A_33, %scan3A_34 : i32
      %scan3A_36 = arith.constant 1 : i32
      scf.for %scan3A_38 = %scan3A_33 to %scan3A_35 step %scan3A_36  : i32 {
        %mul3A_39 = arith.constant 2 : i32
        %mul3A_40 = arith.muli %mul3A_39, %scan3A_38 : i32
        %mul3A_41 = arith.constant 2 : i32
        %mul3A_42 = arith.muli %mul3A_41, %scan3A_38 : i32
        %add3A_43 = arith.constant 1 : i32
        %add3A_44 = arith.addi %mul3A_42, %add3A_43 : i32
        %dma_start3A = arith.constant 0 : i32
        %dma_start3A_45 = tpu.memref_slice %arg6[%mul3A_40, %dma_start3A] : memref<8x128xi32, #tpu.memory_space<vmem>> -> memref<1x128xi32, #tpu.memory_space<vmem>>
        %dma_start3A_46 = tpu.memref_squeeze %dma_start3A_45 : memref<1x128xi32, #tpu.memory_space<vmem>> -> memref<128xi32, #tpu.memory_space<vmem>>
        %dma_start3A_47 = arith.constant 0 : i32
        %dma_start3A_48 = arith.constant 0 : i32
        %dma_start3A_49 = tpu.memref_slice %arg2[%dma_start3A_47, %dma_start3A_48] : memref<10240x128xf32, #tpu.memory_space<hbm>> -> memref<10240x128xf32, #tpu.memory_space<hbm>>
        tpu.enqueue_indirect_dma source(%dma_start3A_49 : memref<10240x128xf32, #tpu.memory_space<hbm>>) target(%arg8 : memref<128x128xf32, #tpu.memory_space<vmem>>) offsets(%dma_start3A_46 : memref<128xi32, #tpu.memory_space<vmem>>) semaphore(%arg11 : memref<!tpu.dma_semaphore, #tpu.memory_space<semaphore_mem>>)
        %dma_start3A_50 = arith.constant 0 : i32
        %dma_start3A_51 = tpu.memref_slice %arg6[%add3A_44, %dma_start3A_50] : memref<8x128xi32, #tpu.memory_space<vmem>> -> memref<1x128xi32, #tpu.memory_space<vmem>>
        %dma_start3A_52 = tpu.memref_squeeze %dma_start3A_51 : memref<1x128xi32, #tpu.memory_space<vmem>> -> memref<128xi32, #tpu.memory_space<vmem>>
        %dma_start3A_53 = arith.constant 0 : i32
        %dma_start3A_54 = arith.constant 0 : i32
        %dma_start3A_55 = tpu.memref_slice %arg2[%dma_start3A_53, %dma_start3A_54] : memref<10240x128xf32, #tpu.memory_space<hbm>> -> memref<10240x128xf32, #tpu.memory_space<hbm>>
        tpu.enqueue_indirect_dma source(%dma_start3A_55 : memref<10240x128xf32, #tpu.memory_space<hbm>>) target(%arg9 : memref<128x128xf32, #tpu.memory_space<vmem>>) offsets(%dma_start3A_52 : memref<128xi32, #tpu.memory_space<vmem>>) semaphore(%arg12 : memref<!tpu.dma_semaphore, #tpu.memory_space<semaphore_mem>>)
        %dma_wait3A = arith.constant 0 : i32
        %dma_wait3A_56 = tpu.memref_slice %arg6[%mul3A_40, %dma_wait3A] : memref<8x128xi32, #tpu.memory_space<vmem>> -> memref<1x128xi32, #tpu.memory_space<vmem>>
        %dma_wait3A_57 = tpu.memref_squeeze %dma_wait3A_56 : memref<1x128xi32, #tpu.memory_space<vmem>> -> memref<128xi32, #tpu.memory_space<vmem>>
        %dma_wait3A_58 = arith.constant 0 : i32
        %dma_wait3A_59 = arith.constant 0 : i32
        %dma_wait3A_60 = tpu.memref_slice %arg2[%dma_wait3A_58, %dma_wait3A_59] : memref<10240x128xf32, #tpu.memory_space<hbm>> -> memref<10240x128xf32, #tpu.memory_space<hbm>>
        tpu.wait_indirect_dma semaphore(%arg11 : memref<!tpu.dma_semaphore, #tpu.memory_space<semaphore_mem>>) src(%dma_wait3A_60 : memref<10240x128xf32, #tpu.memory_space<hbm>>) dst(%arg8 : memref<128x128xf32, #tpu.memory_space<vmem>>)
        "tpu.region"() ({
          %run_scoped3A = tpu.sem_alloc : memref<!tpu.dma_semaphore, #tpu.memory_space<semaphore_mem>>
          %dma_start3A_67 = arith.constant 0 : i32
          %dma_start3A_68 = tpu.memref_slice %arg7[%mul3A_40, %dma_start3A_67] : memref<8x128xi32, #tpu.memory_space<vmem>> -> memref<1x128xi32, #tpu.memory_space<vmem>>
          %dma_start3A_69 = tpu.memref_squeeze %dma_start3A_68 : memref<1x128xi32, #tpu.memory_space<vmem>> -> memref<128xi32, #tpu.memory_space<vmem>>
          %dma_start3A_70 = arith.constant 0 : i32
          %dma_start3A_71 = arith.constant 0 : i32
          %dma_start3A_72 = tpu.memref_slice %arg10[%dma_start3A_70, %dma_start3A_71] : memref<10240x128xf32, #tpu.memory_space<vmem_shared>> -> memref<10240x128xf32, #tpu.memory_space<vmem_shared>>
          tpu.enqueue_indirect_dma source(%arg8 : memref<128x128xf32, #tpu.memory_space<vmem>>) target(%dma_start3A_72 : memref<10240x128xf32, #tpu.memory_space<vmem_shared>>) offsets(%dma_start3A_69 : memref<128xi32, #tpu.memory_space<vmem>>) semaphore(%run_scoped3A : memref<!tpu.dma_semaphore, #tpu.memory_space<semaphore_mem>>) {add = true}
          %dma_wait3A_73 = arith.constant 0 : i32
          %dma_wait3A_74 = tpu.memref_slice %arg7[%mul3A_40, %dma_wait3A_73] : memref<8x128xi32, #tpu.memory_space<vmem>> -> memref<1x128xi32, #tpu.memory_space<vmem>>
          %dma_wait3A_75 = tpu.memref_squeeze %dma_wait3A_74 : memref<1x128xi32, #tpu.memory_space<vmem>> -> memref<128xi32, #tpu.memory_space<vmem>>
          %dma_wait3A_76 = arith.constant 0 : i32
          %dma_wait3A_77 = arith.constant 0 : i32
          %dma_wait3A_78 = tpu.memref_slice %arg10[%dma_wait3A_76, %dma_wait3A_77] : memref<10240x128xf32, #tpu.memory_space<vmem_shared>> -> memref<10240x128xf32, #tpu.memory_space<vmem_shared>>
          tpu.wait_indirect_dma semaphore(%run_scoped3A : memref<!tpu.dma_semaphore, #tpu.memory_space<semaphore_mem>>) src(%arg8 : memref<128x128xf32, #tpu.memory_space<vmem>>) dst(%dma_wait3A_78 : memref<10240x128xf32, #tpu.memory_space<vmem_shared>>)
          tpu.yield
        }) : () -> ()
        %dma_wait3A_61 = arith.constant 0 : i32
        %dma_wait3A_62 = tpu.memref_slice %arg6[%add3A_44, %dma_wait3A_61] : memref<8x128xi32, #tpu.memory_space<vmem>> -> memref<1x128xi32, #tpu.memory_space<vmem>>
        %dma_wait3A_63 = tpu.memref_squeeze %dma_wait3A_62 : memref<1x128xi32, #tpu.memory_space<vmem>> -> memref<128xi32, #tpu.memory_space<vmem>>
        %dma_wait3A_64 = arith.constant 0 : i32
        %dma_wait3A_65 = arith.constant 0 : i32
        %dma_wait3A_66 = tpu.memref_slice %arg2[%dma_wait3A_64, %dma_wait3A_65] : memref<10240x128xf32, #tpu.memory_space<hbm>> -> memref<10240x128xf32, #tpu.memory_space<hbm>>
        tpu.wait_indirect_dma semaphore(%arg12 : memref<!tpu.dma_semaphore, #tpu.memory_space<semaphore_mem>>) src(%dma_wait3A_66 : memref<10240x128xf32, #tpu.memory_space<hbm>>) dst(%arg9 : memref<128x128xf32, #tpu.memory_space<vmem>>)
        "tpu.region"() ({
          %run_scoped3A = tpu.sem_alloc : memref<!tpu.dma_semaphore, #tpu.memory_space<semaphore_mem>>
          %dma_start3A_67 = arith.constant 0 : i32
          %dma_start3A_68 = tpu.memref_slice %arg7[%add3A_44, %dma_start3A_67] : memref<8x128xi32, #tpu.memory_space<vmem>> -> memref<1x128xi32, #tpu.memory_space<vmem>>
          %dma_start3A_69 = tpu.memref_squeeze %dma_start3A_68 : memref<1x128xi32, #tpu.memory_space<vmem>> -> memref<128xi32, #tpu.memory_space<vmem>>
          %dma_start3A_70 = arith.constant 0 : i32
          %dma_start3A_71 = arith.constant 0 : i32
          %dma_start3A_72 = tpu.memref_slice %arg10[%dma_start3A_70, %dma_start3A_71] : memref<10240x128xf32, #tpu.memory_space<vmem_shared>> -> memref<10240x128xf32, #tpu.memory_space<vmem_shared>>
          tpu.enqueue_indirect_dma source(%arg9 : memref<128x128xf32, #tpu.memory_space<vmem>>) target(%dma_start3A_72 : memref<10240x128xf32, #tpu.memory_space<vmem_shared>>) offsets(%dma_start3A_69 : memref<128xi32, #tpu.memory_space<vmem>>) semaphore(%run_scoped3A : memref<!tpu.dma_semaphore, #tpu.memory_space<semaphore_mem>>) {add = true}
          %dma_wait3A_73 = arith.constant 0 : i32
          %dma_wait3A_74 = tpu.memref_slice %arg7[%add3A_44, %dma_wait3A_73] : memref<8x128xi32, #tpu.memory_space<vmem>> -> memref<1x128xi32, #tpu.memory_space<vmem>>
          %dma_wait3A_75 = tpu.memref_squeeze %dma_wait3A_74 : memref<1x128xi32, #tpu.memory_space<vmem>> -> memref<128xi32, #tpu.memory_space<vmem>>
          %dma_wait3A_76 = arith.constant 0 : i32
          %dma_wait3A_77 = arith.constant 0 : i32
          %dma_wait3A_78 = tpu.memref_slice %arg10[%dma_wait3A_76, %dma_wait3A_77] : memref<10240x128xf32, #tpu.memory_space<vmem_shared>> -> memref<10240x128xf32, #tpu.memory_space<vmem_shared>>
          tpu.wait_indirect_dma semaphore(%run_scoped3A : memref<!tpu.dma_semaphore, #tpu.memory_space<semaphore_mem>>) src(%arg9 : memref<128x128xf32, #tpu.memory_space<vmem>>) dst(%dma_wait3A_78 : memref<10240x128xf32, #tpu.memory_space<vmem_shared>>)
          tpu.yield
        }) : () -> ()
      }
      %scan3A_37 = arith.constant 4 : i32
    }
    %scan3A_26 = arith.constant 10 : i32
    %barrier3A_27 = arith.constant 0 : index
    tpu.barrier barrier_id(%barrier3A_27)
    "tpu.region"() ({
      %run_scoped3A = tpu.sem_alloc : memref<!tpu.dma_semaphore, #tpu.memory_space<semaphore_mem>>
      %dma_start3A = arith.constant 0 : i32
      %dma_start3A_28 = tpu.memref_slice %arg5[%arg0, %mul3A_2, %dma_start3A] : memref<2x10240x128xf32, #tpu.memory_space<hbm>> -> memref<1x640x128xf32, #tpu.memory_space<hbm>>
      %dma_start3A_29 = tpu.memref_squeeze %dma_start3A_28 : memref<1x640x128xf32, #tpu.memory_space<hbm>> -> memref<640x128xf32, #tpu.memory_space<hbm>>
      %dma_start3A_30 = arith.constant 0 : i32
      %dma_start3A_31 = tpu.memref_slice %arg10[%mul3A_2, %dma_start3A_30] : memref<10240x128xf32, #tpu.memory_space<vmem_shared>> -> memref<640x128xf32, #tpu.memory_space<vmem_shared>>
      tpu.enqueue_dma source(%dma_start3A_31 : memref<640x128xf32, #tpu.memory_space<vmem_shared>>) target(%dma_start3A_29 : memref<640x128xf32, #tpu.memory_space<hbm>>) target_semaphore(%run_scoped3A : memref<!tpu.dma_semaphore, #tpu.memory_space<semaphore_mem>>)
      %dma_wait3A = arith.constant 0 : i32
      %dma_wait3A_32 = tpu.memref_slice %arg5[%arg0, %mul3A_2, %dma_wait3A] : memref<2x10240x128xf32, #tpu.memory_space<hbm>> -> memref<1x640x128xf32, #tpu.memory_space<hbm>>
      %dma_wait3A_33 = tpu.memref_squeeze %dma_wait3A_32 : memref<1x640x128xf32, #tpu.memory_space<hbm>> -> memref<640x128xf32, #tpu.memory_space<hbm>>
      %dma_wait3A_34 = arith.constant 0 : i32
      %dma_wait3A_35 = tpu.memref_slice %arg10[%mul3A_2, %dma_wait3A_34] : memref<10240x128xf32, #tpu.memory_space<vmem_shared>> -> memref<640x128xf32, #tpu.memory_space<vmem_shared>>
      tpu.wait_dma2 semaphore(%run_scoped3A : memref<!tpu.dma_semaphore, #tpu.memory_space<semaphore_mem>>) src(%dma_wait3A_35 : memref<640x128xf32, #tpu.memory_space<vmem_shared>>) dst(%dma_wait3A_33 : memref<640x128xf32, #tpu.memory_space<hbm>>)
      tpu.yield
    }) : () -> ()
    return
  }
}

#map = affine_map<(d0, d1) -> (0, 0)>
#map1 = affine_map<(d0, d1) -> (0, 0, 0)>
module attributes {stable_mosaic.version = 14 : i64} {
  func.func @body(%arg0: i32, %arg1: i32, %arg2: memref<10240x128xf32, #tpu.memory_space<hbm>>, %arg3: memref<32x80x128xi32, #tpu.memory_space<hbm>>, %arg4: memref<32x80x128xi32, #tpu.memory_space<hbm>>, %arg5: memref<2x10240x128xf32, #tpu.memory_space<hbm>>, %arg6: memref<2x80x128xf32, #tpu.memory_space<hbm>>, %arg7: memref<8x128xi32, #tpu.memory_space<vmem>>, %arg8: memref<8x128xi32, #tpu.memory_space<vmem>>, %arg9: memref<128x128xf32, #tpu.memory_space<vmem>>, %arg10: memref<128x128xf32, #tpu.memory_space<vmem>>, %arg11: memref<10240x128xf32, #tpu.memory_space<vmem_shared>>, %arg12: memref<!tpu.dma_semaphore, #tpu.memory_space<semaphore_mem>>, %arg13: memref<!tpu.dma_semaphore, #tpu.memory_space<semaphore_mem>>, %arg14: memref<80x128xf32, #tpu.memory_space<vmem>>, %arg15: memref<80xi32, #tpu.memory_space<vmem>>, %arg16: memref<80x128xf32, #tpu.memory_space<vmem_shared>>) attributes {dimension_semantics = [#tpu.dimension_semantics<core_parallel>, #tpu.dimension_semantics<subcore_parallel>], iteration_bounds = array<i64: 2, 16>, scalar_prefetch = 0 : i64, scratch_operands = 10 : i64, tpu.core_type = #tpu.core_type<sc_vector_subcore>, window_params = [{transform_indices = #map}, {transform_indices = #map1}, {transform_indices = #map1}, {transform_indices = #map1}, {transform_indices = #map1}]} {
    %mul3A = arith.constant 16 : i32
    %mul3A_0 = arith.muli %arg0, %mul3A : i32
    %add3A = arith.addi %mul3A_0, %arg1 : i32
    %mul3A_1 = arith.constant 640 : i32
    %mul3A_2 = arith.muli %arg1, %mul3A_1 : i32
    %broadcast_in_dim3A = arith.constant 0.000000e+00 : f32
    %broadcast_in_dim3A_3 = vector.broadcast %broadcast_in_dim3A : f32 to vector<16xf32>
    %scan3A = arith.constant 0 : i32
    %scan3A_4 = arith.constant 0 : i32
    %scan3A_5 = arith.constant 1024 : i32
    %scan3A_6 = arith.addi %scan3A_4, %scan3A_5 : i32
    %scan3A_7 = arith.constant 1 : i32
    scf.for %scan3A_68 = %scan3A_4 to %scan3A_6 step %scan3A_7  : i32 {
      %jit3A = arith.constant 8 : i32
      %div3A = arith.divsi %scan3A_68, %jit3A : i32
      %sign3A = arith.constant 0 : i32
      %sign3A_69 = arith.cmpi sgt, %scan3A_68, %sign3A : i32
      %sign3A_70 = arith.extui %sign3A_69 : i1 to i32
      %sign3A_71 = arith.constant 0 : i32
      %sign3A_72 = arith.cmpi slt, %scan3A_68, %sign3A_71 : i32
      %sign3A_73 = arith.extui %sign3A_72 : i1 to i32
      %sign3A_74 = arith.subi %sign3A_70, %sign3A_73 : i32
      %sign3A_75 = arith.constant 0 : i32
      %sign3A_76 = arith.cmpi sgt, %jit3A, %sign3A_75 : i32
      %sign3A_77 = arith.extui %sign3A_76 : i1 to i32
      %sign3A_78 = arith.constant 0 : i32
      %sign3A_79 = arith.cmpi slt, %jit3A, %sign3A_78 : i32
      %sign3A_80 = arith.extui %sign3A_79 : i1 to i32
      %sign3A_81 = arith.subi %sign3A_77, %sign3A_80 : i32
      %ne3A = arith.cmpi ne, %sign3A_74, %sign3A_81 : i32
      %rem3A = arith.remsi %scan3A_68, %jit3A : i32
      %ne3A_82 = arith.constant 0 : i32
      %ne3A_83 = arith.cmpi ne, %rem3A, %ne3A_82 : i32
      %and3A = arith.andi %ne3A, %ne3A_83 : i1
      %sub3A = arith.constant 1 : i32
      %sub3A_84 = arith.subi %div3A, %sub3A : i32
      %select_n3A = arith.select %and3A, %sub3A_84, %div3A : i32
      %jit3A_85 = arith.constant 8 : i32
      %eq3A = arith.constant 0 : i32
      %eq3A_86 = arith.cmpi eq, %jit3A_85, %eq3A : i32
      %jit3A_87 = arith.constant 1 : i32
      %select_n3A_88 = arith.select %eq3A_86, %jit3A_87, %jit3A_85 : i32
      %rem3A_89 = arith.remsi %scan3A_68, %select_n3A_88 : i32
      %ne3A_90 = arith.constant 0 : i32
      %ne3A_91 = arith.cmpi ne, %rem3A_89, %ne3A_90 : i32
      %lt3A_92 = arith.constant 0 : i32
      %lt3A_93 = arith.cmpi slt, %rem3A_89, %lt3A_92 : i32
      %lt3A_94 = arith.constant 0 : i32
      %lt3A_95 = arith.cmpi slt, %select_n3A_88, %lt3A_94 : i32
      %ne3A_96 = arith.xori %lt3A_93, %lt3A_95 : i1
      %and3A_97 = arith.andi %ne3A_96, %ne3A_91 : i1
      %add3A_98 = arith.addi %rem3A_89, %select_n3A_88 : i32
      %select_n3A_99 = arith.select %and3A_97, %add3A_98, %rem3A_89 : i32
      %mul3A_100 = arith.constant 16 : i32
      %mul3A_101 = arith.muli %select_n3A_99, %mul3A_100 : i32
      %swap3A_102 = arith.index_cast %select_n3A : i32 to index
      %swap3A_103 = arith.index_cast %mul3A_101 : i32 to index
      %swap3A_104 = tpu.vector_load %arg9[%swap3A_102, %swap3A_103] {strides = array<i32>} : memref<128x128xf32, #tpu.memory_space<vmem>>, vector<16xf32>,
      tpu.vector_store %arg9[%swap3A_102, %swap3A_103], %broadcast_in_dim3A_3 {strides = array<i32>} : memref<128x128xf32, #tpu.memory_space<vmem>>, vector<16xf32>,
    }
    %scan3A_8 = arith.constant 1024 : i32
    %add3A_9 = arith.constant 0 : i32
    %add3A_10 = arith.addi %mul3A_2, %add3A_9 : i32
    "tpu.region"() ({
      %run_scoped3A = tpu.sem_alloc : memref<!tpu.dma_semaphore, #tpu.memory_space<semaphore_mem>>
      %dma_start3A = arith.constant 0 : i32
      %dma_start3A_68 = tpu.memref_slice %arg11[%add3A_10, %dma_start3A] : memref<10240x128xf32, #tpu.memory_space<vmem_shared>> -> memref<128x128xf32, #tpu.memory_space<vmem_shared>>
      %dma_start3A_69 = arith.constant 0 : i32
      %dma_start3A_70 = tpu.memref_slice %arg11[%add3A_10, %dma_start3A_69] : memref<10240x128xf32, #tpu.memory_space<vmem_shared>> -> memref<128x128xf32, #tpu.memory_space<vmem_shared>>
      tpu.enqueue_dma source(%arg9 : memref<128x128xf32, #tpu.memory_space<vmem>>) target(%dma_start3A_70 : memref<128x128xf32, #tpu.memory_space<vmem_shared>>) target_semaphore(%run_scoped3A : memref<!tpu.dma_semaphore, #tpu.memory_space<semaphore_mem>>)
      %dma_wait3A = arith.constant 0 : i32
      %dma_wait3A_71 = tpu.memref_slice %arg11[%add3A_10, %dma_wait3A] : memref<10240x128xf32, #tpu.memory_space<vmem_shared>> -> memref<128x128xf32, #tpu.memory_space<vmem_shared>>
      %dma_wait3A_72 = arith.constant 0 : i32
      %dma_wait3A_73 = tpu.memref_slice %arg11[%add3A_10, %dma_wait3A_72] : memref<10240x128xf32, #tpu.memory_space<vmem_shared>> -> memref<128x128xf32, #tpu.memory_space<vmem_shared>>
      tpu.wait_dma2 semaphore(%run_scoped3A : memref<!tpu.dma_semaphore, #tpu.memory_space<semaphore_mem>>) src(%arg9 : memref<128x128xf32, #tpu.memory_space<vmem>>) dst(%dma_wait3A_73 : memref<128x128xf32, #tpu.memory_space<vmem_shared>>)
      tpu.yield
    }) : () -> ()
    %add3A_11 = arith.constant 128 : i32
    %add3A_12 = arith.addi %mul3A_2, %add3A_11 : i32
    "tpu.region"() ({
      %run_scoped3A = tpu.sem_alloc : memref<!tpu.dma_semaphore, #tpu.memory_space<semaphore_mem>>
      %dma_start3A = arith.constant 0 : i32
      %dma_start3A_68 = tpu.memref_slice %arg11[%add3A_12, %dma_start3A] : memref<10240x128xf32, #tpu.memory_space<vmem_shared>> -> memref<128x128xf32, #tpu.memory_space<vmem_shared>>
      %dma_start3A_69 = arith.constant 0 : i32
      %dma_start3A_70 = tpu.memref_slice %arg11[%add3A_12, %dma_start3A_69] : memref<10240x128xf32, #tpu.memory_space<vmem_shared>> -> memref<128x128xf32, #tpu.memory_space<vmem_shared>>
      tpu.enqueue_dma source(%arg9 : memref<128x128xf32, #tpu.memory_space<vmem>>) target(%dma_start3A_70 : memref<128x128xf32, #tpu.memory_space<vmem_shared>>) target_semaphore(%run_scoped3A : memref<!tpu.dma_semaphore, #tpu.memory_space<semaphore_mem>>)
      %dma_wait3A = arith.constant 0 : i32
      %dma_wait3A_71 = tpu.memref_slice %arg11[%add3A_12, %dma_wait3A] : memref<10240x128xf32, #tpu.memory_space<vmem_shared>> -> memref<128x128xf32, #tpu.memory_space<vmem_shared>>
      %dma_wait3A_72 = arith.constant 0 : i32
      %dma_wait3A_73 = tpu.memref_slice %arg11[%add3A_12, %dma_wait3A_72] : memref<10240x128xf32, #tpu.memory_space<vmem_shared>> -> memref<128x128xf32, #tpu.memory_space<vmem_shared>>
      tpu.wait_dma2 semaphore(%run_scoped3A : memref<!tpu.dma_semaphore, #tpu.memory_space<semaphore_mem>>) src(%arg9 : memref<128x128xf32, #tpu.memory_space<vmem>>) dst(%dma_wait3A_73 : memref<128x128xf32, #tpu.memory_space<vmem_shared>>)
      tpu.yield
    }) : () -> ()
    %add3A_13 = arith.constant 256 : i32
    %add3A_14 = arith.addi %mul3A_2, %add3A_13 : i32
    "tpu.region"() ({
      %run_scoped3A = tpu.sem_alloc : memref<!tpu.dma_semaphore, #tpu.memory_space<semaphore_mem>>
      %dma_start3A = arith.constant 0 : i32
      %dma_start3A_68 = tpu.memref_slice %arg11[%add3A_14, %dma_start3A] : memref<10240x128xf32, #tpu.memory_space<vmem_shared>> -> memref<128x128xf32, #tpu.memory_space<vmem_shared>>
      %dma_start3A_69 = arith.constant 0 : i32
      %dma_start3A_70 = tpu.memref_slice %arg11[%add3A_14, %dma_start3A_69] : memref<10240x128xf32, #tpu.memory_space<vmem_shared>> -> memref<128x128xf32, #tpu.memory_space<vmem_shared>>
      tpu.enqueue_dma source(%arg9 : memref<128x128xf32, #tpu.memory_space<vmem>>) target(%dma_start3A_70 : memref<128x128xf32, #tpu.memory_space<vmem_shared>>) target_semaphore(%run_scoped3A : memref<!tpu.dma_semaphore, #tpu.memory_space<semaphore_mem>>)
      %dma_wait3A = arith.constant 0 : i32
      %dma_wait3A_71 = tpu.memref_slice %arg11[%add3A_14, %dma_wait3A] : memref<10240x128xf32, #tpu.memory_space<vmem_shared>> -> memref<128x128xf32, #tpu.memory_space<vmem_shared>>
      %dma_wait3A_72 = arith.constant 0 : i32
      %dma_wait3A_73 = tpu.memref_slice %arg11[%add3A_14, %dma_wait3A_72] : memref<10240x128xf32, #tpu.memory_space<vmem_shared>> -> memref<128x128xf32, #tpu.memory_space<vmem_shared>>
      tpu.wait_dma2 semaphore(%run_scoped3A : memref<!tpu.dma_semaphore, #tpu.memory_space<semaphore_mem>>) src(%arg9 : memref<128x128xf32, #tpu.memory_space<vmem>>) dst(%dma_wait3A_73 : memref<128x128xf32, #tpu.memory_space<vmem_shared>>)
      tpu.yield
    }) : () -> ()
    %add3A_15 = arith.constant 384 : i32
    %add3A_16 = arith.addi %mul3A_2, %add3A_15 : i32
    "tpu.region"() ({
      %run_scoped3A = tpu.sem_alloc : memref<!tpu.dma_semaphore, #tpu.memory_space<semaphore_mem>>
      %dma_start3A = arith.constant 0 : i32
      %dma_start3A_68 = tpu.memref_slice %arg11[%add3A_16, %dma_start3A] : memref<10240x128xf32, #tpu.memory_space<vmem_shared>> -> memref<128x128xf32, #tpu.memory_space<vmem_shared>>
      %dma_start3A_69 = arith.constant 0 : i32
      %dma_start3A_70 = tpu.memref_slice %arg11[%add3A_16, %dma_start3A_69] : memref<10240x128xf32, #tpu.memory_space<vmem_shared>> -> memref<128x128xf32, #tpu.memory_space<vmem_shared>>
      tpu.enqueue_dma source(%arg9 : memref<128x128xf32, #tpu.memory_space<vmem>>) target(%dma_start3A_70 : memref<128x128xf32, #tpu.memory_space<vmem_shared>>) target_semaphore(%run_scoped3A : memref<!tpu.dma_semaphore, #tpu.memory_space<semaphore_mem>>)
      %dma_wait3A = arith.constant 0 : i32
      %dma_wait3A_71 = tpu.memref_slice %arg11[%add3A_16, %dma_wait3A] : memref<10240x128xf32, #tpu.memory_space<vmem_shared>> -> memref<128x128xf32, #tpu.memory_space<vmem_shared>>
      %dma_wait3A_72 = arith.constant 0 : i32
      %dma_wait3A_73 = tpu.memref_slice %arg11[%add3A_16, %dma_wait3A_72] : memref<10240x128xf32, #tpu.memory_space<vmem_shared>> -> memref<128x128xf32, #tpu.memory_space<vmem_shared>>
      tpu.wait_dma2 semaphore(%run_scoped3A : memref<!tpu.dma_semaphore, #tpu.memory_space<semaphore_mem>>) src(%arg9 : memref<128x128xf32, #tpu.memory_space<vmem>>) dst(%dma_wait3A_73 : memref<128x128xf32, #tpu.memory_space<vmem_shared>>)
      tpu.yield
    }) : () -> ()
    %add3A_17 = arith.constant 512 : i32
    %add3A_18 = arith.addi %mul3A_2, %add3A_17 : i32
    "tpu.region"() ({
      %run_scoped3A = tpu.sem_alloc : memref<!tpu.dma_semaphore, #tpu.memory_space<semaphore_mem>>
      %dma_start3A = arith.constant 0 : i32
      %dma_start3A_68 = tpu.memref_slice %arg11[%add3A_18, %dma_start3A] : memref<10240x128xf32, #tpu.memory_space<vmem_shared>> -> memref<128x128xf32, #tpu.memory_space<vmem_shared>>
      %dma_start3A_69 = arith.constant 0 : i32
      %dma_start3A_70 = tpu.memref_slice %arg11[%add3A_18, %dma_start3A_69] : memref<10240x128xf32, #tpu.memory_space<vmem_shared>> -> memref<128x128xf32, #tpu.memory_space<vmem_shared>>
      tpu.enqueue_dma source(%arg9 : memref<128x128xf32, #tpu.memory_space<vmem>>) target(%dma_start3A_70 : memref<128x128xf32, #tpu.memory_space<vmem_shared>>) target_semaphore(%run_scoped3A : memref<!tpu.dma_semaphore, #tpu.memory_space<semaphore_mem>>)
      %dma_wait3A = arith.constant 0 : i32
      %dma_wait3A_71 = tpu.memref_slice %arg11[%add3A_18, %dma_wait3A] : memref<10240x128xf32, #tpu.memory_space<vmem_shared>> -> memref<128x128xf32, #tpu.memory_space<vmem_shared>>
      %dma_wait3A_72 = arith.constant 0 : i32
      %dma_wait3A_73 = tpu.memref_slice %arg11[%add3A_18, %dma_wait3A_72] : memref<10240x128xf32, #tpu.memory_space<vmem_shared>> -> memref<128x128xf32, #tpu.memory_space<vmem_shared>>
      tpu.wait_dma2 semaphore(%run_scoped3A : memref<!tpu.dma_semaphore, #tpu.memory_space<semaphore_mem>>) src(%arg9 : memref<128x128xf32, #tpu.memory_space<vmem>>) dst(%dma_wait3A_73 : memref<128x128xf32, #tpu.memory_space<vmem_shared>>)
      tpu.yield
    }) : () -> ()
    %broadcast_in_dim3A_19 = arith.constant 0.000000e+00 : f32
    %broadcast_in_dim3A_20 = vector.broadcast %broadcast_in_dim3A_19 : f32 to vector<16xf32>
    %scan3A_21 = arith.constant 0 : i32
    %scan3A_22 = arith.constant 0 : i32
    %scan3A_23 = arith.constant 640 : i32
    %scan3A_24 = arith.addi %scan3A_22, %scan3A_23 : i32
    %scan3A_25 = arith.constant 1 : i32
    scf.for %scan3A_68 = %scan3A_22 to %scan3A_24 step %scan3A_25  : i32 {
      %jit3A = arith.constant 8 : i32
      %div3A = arith.divsi %scan3A_68, %jit3A : i32
      %sign3A = arith.constant 0 : i32
      %sign3A_69 = arith.cmpi sgt, %scan3A_68, %sign3A : i32
      %sign3A_70 = arith.extui %sign3A_69 : i1 to i32
      %sign3A_71 = arith.constant 0 : i32
      %sign3A_72 = arith.cmpi slt, %scan3A_68, %sign3A_71 : i32
      %sign3A_73 = arith.extui %sign3A_72 : i1 to i32
      %sign3A_74 = arith.subi %sign3A_70, %sign3A_73 : i32
      %sign3A_75 = arith.constant 0 : i32
      %sign3A_76 = arith.cmpi sgt, %jit3A, %sign3A_75 : i32
      %sign3A_77 = arith.extui %sign3A_76 : i1 to i32
      %sign3A_78 = arith.constant 0 : i32
      %sign3A_79 = arith.cmpi slt, %jit3A, %sign3A_78 : i32
      %sign3A_80 = arith.extui %sign3A_79 : i1 to i32
      %sign3A_81 = arith.subi %sign3A_77, %sign3A_80 : i32
      %ne3A = arith.cmpi ne, %sign3A_74, %sign3A_81 : i32
      %rem3A = arith.remsi %scan3A_68, %jit3A : i32
      %ne3A_82 = arith.constant 0 : i32
      %ne3A_83 = arith.cmpi ne, %rem3A, %ne3A_82 : i32
      %and3A = arith.andi %ne3A, %ne3A_83 : i1
      %sub3A = arith.constant 1 : i32
      %sub3A_84 = arith.subi %div3A, %sub3A : i32
      %select_n3A = arith.select %and3A, %sub3A_84, %div3A : i32
      %jit3A_85 = arith.constant 8 : i32
      %eq3A = arith.constant 0 : i32
      %eq3A_86 = arith.cmpi eq, %jit3A_85, %eq3A : i32
      %jit3A_87 = arith.constant 1 : i32
      %select_n3A_88 = arith.select %eq3A_86, %jit3A_87, %jit3A_85 : i32
      %rem3A_89 = arith.remsi %scan3A_68, %select_n3A_88 : i32
      %ne3A_90 = arith.constant 0 : i32
      %ne3A_91 = arith.cmpi ne, %rem3A_89, %ne3A_90 : i32
      %lt3A_92 = arith.constant 0 : i32
      %lt3A_93 = arith.cmpi slt, %rem3A_89, %lt3A_92 : i32
      %lt3A_94 = arith.constant 0 : i32
      %lt3A_95 = arith.cmpi slt, %select_n3A_88, %lt3A_94 : i32
      %ne3A_96 = arith.xori %lt3A_93, %lt3A_95 : i1
      %and3A_97 = arith.andi %ne3A_96, %ne3A_91 : i1
      %add3A_98 = arith.addi %rem3A_89, %select_n3A_88 : i32
      %select_n3A_99 = arith.select %and3A_97, %add3A_98, %rem3A_89 : i32
      %mul3A_100 = arith.constant 16 : i32
      %mul3A_101 = arith.muli %select_n3A_99, %mul3A_100 : i32
      %swap3A_102 = arith.index_cast %select_n3A : i32 to index
      %swap3A_103 = arith.index_cast %mul3A_101 : i32 to index
      %swap3A_104 = tpu.vector_load %arg14[%swap3A_102, %swap3A_103] {strides = array<i32>} : memref<80x128xf32, #tpu.memory_space<vmem>>, vector<16xf32>,
      tpu.vector_store %arg14[%swap3A_102, %swap3A_103], %broadcast_in_dim3A_20 {strides = array<i32>} : memref<80x128xf32, #tpu.memory_space<vmem>>, vector<16xf32>,
    }
    %scan3A_26 = arith.constant 640 : i32
    %iota3A = tpu.iota {dimensions = array<i32: 0>} : vector<16xi32>
    %add3A_27 = arith.constant 0 : i32
    %add3A_28 = vector.broadcast %add3A_27 : i32 to vector<16xi32>
    %add3A_29 = arith.addi %iota3A, %add3A_28 : vector<16xi32>
    %swap3A = arith.constant 0 : index
    %swap3A_30 = tpu.vector_load %arg15[%swap3A] {strides = array<i32>} : memref<80xi32, #tpu.memory_space<vmem>>, vector<16xi32>,
    tpu.vector_store %arg15[%swap3A], %add3A_29 {strides = array<i32>} : memref<80xi32, #tpu.memory_space<vmem>>, vector<16xi32>,
    %add3A_31 = arith.constant 16 : i32
    %add3A_32 = vector.broadcast %add3A_31 : i32 to vector<16xi32>
    %add3A_33 = arith.addi %iota3A, %add3A_32 : vector<16xi32>
    %swap3A_34 = arith.constant 16 : index
    %swap3A_35 = tpu.vector_load %arg15[%swap3A_34] {strides = array<i32>} : memref<80xi32, #tpu.memory_space<vmem>>, vector<16xi32>,
    tpu.vector_store %arg15[%swap3A_34], %add3A_33 {strides = array<i32>} : memref<80xi32, #tpu.memory_space<vmem>>, vector<16xi32>,
    %add3A_36 = arith.constant 32 : i32
    %add3A_37 = vector.broadcast %add3A_36 : i32 to vector<16xi32>
    %add3A_38 = arith.addi %iota3A, %add3A_37 : vector<16xi32>
    %swap3A_39 = arith.constant 32 : index
    %swap3A_40 = tpu.vector_load %arg15[%swap3A_39] {strides = array<i32>} : memref<80xi32, #tpu.memory_space<vmem>>, vector<16xi32>,
    tpu.vector_store %arg15[%swap3A_39], %add3A_38 {strides = array<i32>} : memref<80xi32, #tpu.memory_space<vmem>>, vector<16xi32>,
    %add3A_41 = arith.constant 48 : i32
    %add3A_42 = vector.broadcast %add3A_41 : i32 to vector<16xi32>
    %add3A_43 = arith.addi %iota3A, %add3A_42 : vector<16xi32>
    %swap3A_44 = arith.constant 48 : index
    %swap3A_45 = tpu.vector_load %arg15[%swap3A_44] {strides = array<i32>} : memref<80xi32, #tpu.memory_space<vmem>>, vector<16xi32>,
    tpu.vector_store %arg15[%swap3A_44], %add3A_43 {strides = array<i32>} : memref<80xi32, #tpu.memory_space<vmem>>, vector<16xi32>,
    %add3A_46 = arith.constant 64 : i32
    %add3A_47 = vector.broadcast %add3A_46 : i32 to vector<16xi32>
    %add3A_48 = arith.addi %iota3A, %add3A_47 : vector<16xi32>
    %swap3A_49 = arith.constant 64 : index
    %swap3A_50 = tpu.vector_load %arg15[%swap3A_49] {strides = array<i32>} : memref<80xi32, #tpu.memory_space<vmem>>, vector<16xi32>,
    tpu.vector_store %arg15[%swap3A_49], %add3A_48 {strides = array<i32>} : memref<80xi32, #tpu.memory_space<vmem>>, vector<16xi32>,
    %lt3A = arith.constant 10 : i32
    %lt3A_51 = arith.cmpi slt, %arg1, %lt3A : i32
    %convert_element_type3A = arith.extui %lt3A_51 : i1 to i32
    %cond3A = arith.constant 0 : i32
    %cond3A_52 = arith.cmpi ne, %convert_element_type3A, %cond3A : i32
    scf.if %cond3A_52 {
      %mul3A_68 = arith.constant 8 : i32
      %mul3A_69 = arith.muli %arg1, %mul3A_68 : i32
      "tpu.region"() ({
        %run_scoped3A = tpu.sem_alloc : memref<!tpu.dma_semaphore, #tpu.memory_space<semaphore_mem>>
        %dma_start3A = arith.constant 0 : i32
        %dma_start3A_70 = arith.constant 0 : i32
        %dma_start3A_71 = tpu.memref_slice %arg14[%dma_start3A, %dma_start3A_70] : memref<80x128xf32, #tpu.memory_space<vmem>> -> memref<8x128xf32, #tpu.memory_space<vmem>>
        %dma_start3A_72 = arith.constant 0 : i32
        %dma_start3A_73 = tpu.memref_slice %arg16[%mul3A_69, %dma_start3A_72] : memref<80x128xf32, #tpu.memory_space<vmem_shared>> -> memref<8x128xf32, #tpu.memory_space<vmem_shared>>
        %dma_start3A_74 = arith.constant 0 : i32
        %dma_start3A_75 = tpu.memref_slice %arg16[%mul3A_69, %dma_start3A_74] : memref<80x128xf32, #tpu.memory_space<vmem_shared>> -> memref<8x128xf32, #tpu.memory_space<vmem_shared>>
        %dma_start3A_76 = arith.constant 0 : i32
        %dma_start3A_77 = arith.constant 0 : i32
        %dma_start3A_78 = tpu.memref_slice %arg14[%dma_start3A_76, %dma_start3A_77] : memref<80x128xf32, #tpu.memory_space<vmem>> -> memref<8x128xf32, #tpu.memory_space<vmem>>
        tpu.enqueue_dma source(%dma_start3A_78 : memref<8x128xf32, #tpu.memory_space<vmem>>) target(%dma_start3A_75 : memref<8x128xf32, #tpu.memory_space<vmem_shared>>) target_semaphore(%run_scoped3A : memref<!tpu.dma_semaphore, #tpu.memory_space<semaphore_mem>>)
        %dma_wait3A = arith.constant 0 : i32
        %dma_wait3A_79 = arith.constant 0 : i32
        %dma_wait3A_80 = tpu.memref_slice %arg14[%dma_wait3A, %dma_wait3A_79] : memref<80x128xf32, #tpu.memory_space<vmem>> -> memref<8x128xf32, #tpu.memory_space<vmem>>
        %dma_wait3A_81 = arith.constant 0 : i32
        %dma_wait3A_82 = tpu.memref_slice %arg16[%mul3A_69, %dma_wait3A_81] : memref<80x128xf32, #tpu.memory_space<vmem_shared>> -> memref<8x128xf32, #tpu.memory_space<vmem_shared>>
        %dma_wait3A_83 = arith.constant 0 : i32
        %dma_wait3A_84 = tpu.memref_slice %arg16[%mul3A_69, %dma_wait3A_83] : memref<80x128xf32, #tpu.memory_space<vmem_shared>> -> memref<8x128xf32, #tpu.memory_space<vmem_shared>>
        %dma_wait3A_85 = arith.constant 0 : i32
        %dma_wait3A_86 = arith.constant 0 : i32
        %dma_wait3A_87 = tpu.memref_slice %arg14[%dma_wait3A_85, %dma_wait3A_86] : memref<80x128xf32, #tpu.memory_space<vmem>> -> memref<8x128xf32, #tpu.memory_space<vmem>>
        tpu.wait_dma2 semaphore(%run_scoped3A : memref<!tpu.dma_semaphore, #tpu.memory_space<semaphore_mem>>) src(%dma_wait3A_87 : memref<8x128xf32, #tpu.memory_space<vmem>>) dst(%dma_wait3A_84 : memref<8x128xf32, #tpu.memory_space<vmem_shared>>)
        tpu.yield
      }) : () -> ()
    } else {
    }
    %barrier3A = arith.constant 0 : index
    tpu.barrier barrier_id(%barrier3A)
    %broadcast_in_dim3A_53 = arith.constant 1.000000e+00 : f32
    %broadcast_in_dim3A_54 = vector.broadcast %broadcast_in_dim3A_53 : f32 to vector<16xf32>
    %scan3A_55 = arith.constant 0 : i32
    %scan3A_56 = arith.constant 0 : i32
    %scan3A_57 = arith.constant 10 : i32
    %scan3A_58 = arith.addi %scan3A_56, %scan3A_57 : i32
    %scan3A_59 = arith.constant 1 : i32
    scf.for %scan3A_68 = %scan3A_56 to %scan3A_58 step %scan3A_59  : i32 {
      %mul3A_69 = arith.constant 8 : i32
      %mul3A_70 = arith.muli %scan3A_68, %mul3A_69 : i32
      "tpu.region"() ({
        %run_scoped3A = tpu.sem_alloc : memref<!tpu.dma_semaphore, #tpu.memory_space<semaphore_mem>>
        %dma_start3A = arith.constant 0 : i32
        %dma_start3A_78 = tpu.memref_slice %arg3[%add3A, %mul3A_70, %dma_start3A] : memref<32x80x128xi32, #tpu.memory_space<hbm>> -> memref<1x8x128xi32, #tpu.memory_space<hbm>>
        %dma_start3A_79 = tpu.memref_squeeze %dma_start3A_78 : memref<1x8x128xi32, #tpu.memory_space<hbm>> -> memref<8x128xi32, #tpu.memory_space<hbm>>
        %dma_start3A_80 = arith.constant 0 : i32
        %dma_start3A_81 = tpu.memref_slice %arg3[%add3A, %mul3A_70, %dma_start3A_80] : memref<32x80x128xi32, #tpu.memory_space<hbm>> -> memref<1x8x128xi32, #tpu.memory_space<hbm>>
        %dma_start3A_82 = tpu.memref_squeeze %dma_start3A_81 : memref<1x8x128xi32, #tpu.memory_space<hbm>> -> memref<8x128xi32, #tpu.memory_space<hbm>>
        tpu.enqueue_dma source(%dma_start3A_82 : memref<8x128xi32, #tpu.memory_space<hbm>>) target(%arg7 : memref<8x128xi32, #tpu.memory_space<vmem>>) target_semaphore(%run_scoped3A : memref<!tpu.dma_semaphore, #tpu.memory_space<semaphore_mem>>)
        %dma_wait3A = arith.constant 0 : i32
        %dma_wait3A_83 = tpu.memref_slice %arg3[%add3A, %mul3A_70, %dma_wait3A] : memref<32x80x128xi32, #tpu.memory_space<hbm>> -> memref<1x8x128xi32, #tpu.memory_space<hbm>>
        %dma_wait3A_84 = tpu.memref_squeeze %dma_wait3A_83 : memref<1x8x128xi32, #tpu.memory_space<hbm>> -> memref<8x128xi32, #tpu.memory_space<hbm>>
        %dma_wait3A_85 = arith.constant 0 : i32
        %dma_wait3A_86 = tpu.memref_slice %arg3[%add3A, %mul3A_70, %dma_wait3A_85] : memref<32x80x128xi32, #tpu.memory_space<hbm>> -> memref<1x8x128xi32, #tpu.memory_space<hbm>>
        %dma_wait3A_87 = tpu.memref_squeeze %dma_wait3A_86 : memref<1x8x128xi32, #tpu.memory_space<hbm>> -> memref<8x128xi32, #tpu.memory_space<hbm>>
        tpu.wait_dma2 semaphore(%run_scoped3A : memref<!tpu.dma_semaphore, #tpu.memory_space<semaphore_mem>>) src(%dma_wait3A_87 : memref<8x128xi32, #tpu.memory_space<hbm>>) dst(%arg7 : memref<8x128xi32, #tpu.memory_space<vmem>>)
        tpu.yield
      }) : () -> ()
      %mul3A_71 = arith.constant 8 : i32
      %mul3A_72 = arith.muli %scan3A_68, %mul3A_71 : i32
      "tpu.region"() ({
        %run_scoped3A = tpu.sem_alloc : memref<!tpu.dma_semaphore, #tpu.memory_space<semaphore_mem>>
        %dma_start3A = arith.constant 0 : i32
        %dma_start3A_78 = tpu.memref_slice %arg4[%add3A, %mul3A_72, %dma_start3A] : memref<32x80x128xi32, #tpu.memory_space<hbm>> -> memref<1x8x128xi32, #tpu.memory_space<hbm>>
        %dma_start3A_79 = tpu.memref_squeeze %dma_start3A_78 : memref<1x8x128xi32, #tpu.memory_space<hbm>> -> memref<8x128xi32, #tpu.memory_space<hbm>>
        %dma_start3A_80 = arith.constant 0 : i32
        %dma_start3A_81 = tpu.memref_slice %arg4[%add3A, %mul3A_72, %dma_start3A_80] : memref<32x80x128xi32, #tpu.memory_space<hbm>> -> memref<1x8x128xi32, #tpu.memory_space<hbm>>
        %dma_start3A_82 = tpu.memref_squeeze %dma_start3A_81 : memref<1x8x128xi32, #tpu.memory_space<hbm>> -> memref<8x128xi32, #tpu.memory_space<hbm>>
        tpu.enqueue_dma source(%dma_start3A_82 : memref<8x128xi32, #tpu.memory_space<hbm>>) target(%arg8 : memref<8x128xi32, #tpu.memory_space<vmem>>) target_semaphore(%run_scoped3A : memref<!tpu.dma_semaphore, #tpu.memory_space<semaphore_mem>>)
        %dma_wait3A = arith.constant 0 : i32
        %dma_wait3A_83 = tpu.memref_slice %arg4[%add3A, %mul3A_72, %dma_wait3A] : memref<32x80x128xi32, #tpu.memory_space<hbm>> -> memref<1x8x128xi32, #tpu.memory_space<hbm>>
        %dma_wait3A_84 = tpu.memref_squeeze %dma_wait3A_83 : memref<1x8x128xi32, #tpu.memory_space<hbm>> -> memref<8x128xi32, #tpu.memory_space<hbm>>
        %dma_wait3A_85 = arith.constant 0 : i32
        %dma_wait3A_86 = tpu.memref_slice %arg4[%add3A, %mul3A_72, %dma_wait3A_85] : memref<32x80x128xi32, #tpu.memory_space<hbm>> -> memref<1x8x128xi32, #tpu.memory_space<hbm>>
        %dma_wait3A_87 = tpu.memref_squeeze %dma_wait3A_86 : memref<1x8x128xi32, #tpu.memory_space<hbm>> -> memref<8x128xi32, #tpu.memory_space<hbm>>
        tpu.wait_dma2 semaphore(%run_scoped3A : memref<!tpu.dma_semaphore, #tpu.memory_space<semaphore_mem>>) src(%dma_wait3A_87 : memref<8x128xi32, #tpu.memory_space<hbm>>) dst(%arg8 : memref<8x128xi32, #tpu.memory_space<vmem>>)
        tpu.yield
      }) : () -> ()
      %scan3A_73 = arith.constant 0 : i32
      %scan3A_74 = arith.constant 4 : i32
      %scan3A_75 = arith.addi %scan3A_73, %scan3A_74 : i32
      %scan3A_76 = arith.constant 1 : i32
      scf.for %scan3A_78 = %scan3A_73 to %scan3A_75 step %scan3A_76  : i32 {
        %mul3A_79 = arith.constant 2 : i32
        %mul3A_80 = arith.muli %mul3A_79, %scan3A_78 : i32
        %mul3A_81 = arith.constant 2 : i32
        %mul3A_82 = arith.muli %mul3A_81, %scan3A_78 : i32
        %add3A_83 = arith.constant 1 : i32
        %add3A_84 = arith.addi %mul3A_82, %add3A_83 : i32
        %dma_start3A = arith.constant 0 : i32
        %dma_start3A_85 = tpu.memref_slice %arg7[%mul3A_80, %dma_start3A] : memref<8x128xi32, #tpu.memory_space<vmem>> -> memref<1x128xi32, #tpu.memory_space<vmem>>
        %dma_start3A_86 = tpu.memref_squeeze %dma_start3A_85 : memref<1x128xi32, #tpu.memory_space<vmem>> -> memref<128xi32, #tpu.memory_space<vmem>>
        %dma_start3A_87 = arith.constant 0 : i32
        %dma_start3A_88 = arith.constant 0 : i32
        %dma_start3A_89 = tpu.memref_slice %arg2[%dma_start3A_87, %dma_start3A_88] : memref<10240x128xf32, #tpu.memory_space<hbm>> -> memref<10240x128xf32, #tpu.memory_space<hbm>>
        tpu.enqueue_indirect_dma source(%dma_start3A_89 : memref<10240x128xf32, #tpu.memory_space<hbm>>) target(%arg9 : memref<128x128xf32, #tpu.memory_space<vmem>>) offsets(%dma_start3A_86 : memref<128xi32, #tpu.memory_space<vmem>>) semaphore(%arg12 : memref<!tpu.dma_semaphore, #tpu.memory_space<semaphore_mem>>)
        %dma_start3A_90 = arith.constant 0 : i32
        %dma_start3A_91 = tpu.memref_slice %arg7[%add3A_84, %dma_start3A_90] : memref<8x128xi32, #tpu.memory_space<vmem>> -> memref<1x128xi32, #tpu.memory_space<vmem>>
        %dma_start3A_92 = tpu.memref_squeeze %dma_start3A_91 : memref<1x128xi32, #tpu.memory_space<vmem>> -> memref<128xi32, #tpu.memory_space<vmem>>
        %dma_start3A_93 = arith.constant 0 : i32
        %dma_start3A_94 = arith.constant 0 : i32
        %dma_start3A_95 = tpu.memref_slice %arg2[%dma_start3A_93, %dma_start3A_94] : memref<10240x128xf32, #tpu.memory_space<hbm>> -> memref<10240x128xf32, #tpu.memory_space<hbm>>
        tpu.enqueue_indirect_dma source(%dma_start3A_95 : memref<10240x128xf32, #tpu.memory_space<hbm>>) target(%arg10 : memref<128x128xf32, #tpu.memory_space<vmem>>) offsets(%dma_start3A_92 : memref<128xi32, #tpu.memory_space<vmem>>) semaphore(%arg13 : memref<!tpu.dma_semaphore, #tpu.memory_space<semaphore_mem>>)
        %get3A = arith.index_cast %mul3A_80 : i32 to index
        %get3A_96 = arith.constant 0 : index
        %get3A_97 = tpu.vector_load %arg8[%get3A, %get3A_96] {strides = array<i32>} : memref<8x128xi32, #tpu.memory_space<vmem>>, vector<16xi32>,
        %shift_right_arithmetic3A = arith.constant 7 : i32
        %shift_right_arithmetic3A_98 = vector.broadcast %shift_right_arithmetic3A : i32 to vector<16xi32>
        %shift_right_arithmetic3A_99 = arith.shrsi %get3A_97, %shift_right_arithmetic3A_98 : vector<16xi32>
        %and3A = arith.constant 127 : i32
        %and3A_100 = vector.broadcast %and3A : i32 to vector<16xi32>
        %and3A_101 = arith.andi %get3A_97, %and3A_100 : vector<16xi32>
        tpu.vector_store_idx %arg14[%shift_right_arithmetic3A_99, %and3A_101], %broadcast_in_dim3A_54 {add = true} : memref<80x128xf32, #tpu.memory_space<vmem>>[vector<16xi32>, vector<16xi32>], vector<16xf32>,
        %get3A_102 = arith.index_cast %mul3A_80 : i32 to index
        %get3A_103 = arith.constant 16 : index
        %get3A_104 = tpu.vector_load %arg8[%get3A_102, %get3A_103] {strides = array<i32>} : memref<8x128xi32, #tpu.memory_space<vmem>>, vector<16xi32>,
        %shift_right_arithmetic3A_105 = arith.constant 7 : i32
        %shift_right_arithmetic3A_106 = vector.broadcast %shift_right_arithmetic3A_105 : i32 to vector<16xi32>
        %shift_right_arithmetic3A_107 = arith.shrsi %get3A_104, %shift_right_arithmetic3A_106 : vector<16xi32>
        %and3A_108 = arith.constant 127 : i32
        %and3A_109 = vector.broadcast %and3A_108 : i32 to vector<16xi32>
        %and3A_110 = arith.andi %get3A_104, %and3A_109 : vector<16xi32>
        tpu.vector_store_idx %arg14[%shift_right_arithmetic3A_107, %and3A_110], %broadcast_in_dim3A_54 {add = true} : memref<80x128xf32, #tpu.memory_space<vmem>>[vector<16xi32>, vector<16xi32>], vector<16xf32>,
        %get3A_111 = arith.index_cast %mul3A_80 : i32 to index
        %get3A_112 = arith.constant 32 : index
        %get3A_113 = tpu.vector_load %arg8[%get3A_111, %get3A_112] {strides = array<i32>} : memref<8x128xi32, #tpu.memory_space<vmem>>, vector<16xi32>,
        %shift_right_arithmetic3A_114 = arith.constant 7 : i32
        %shift_right_arithmetic3A_115 = vector.broadcast %shift_right_arithmetic3A_114 : i32 to vector<16xi32>
        %shift_right_arithmetic3A_116 = arith.shrsi %get3A_113, %shift_right_arithmetic3A_115 : vector<16xi32>
        %and3A_117 = arith.constant 127 : i32
        %and3A_118 = vector.broadcast %and3A_117 : i32 to vector<16xi32>
        %and3A_119 = arith.andi %get3A_113, %and3A_118 : vector<16xi32>
        tpu.vector_store_idx %arg14[%shift_right_arithmetic3A_116, %and3A_119], %broadcast_in_dim3A_54 {add = true} : memref<80x128xf32, #tpu.memory_space<vmem>>[vector<16xi32>, vector<16xi32>], vector<16xf32>,
        %get3A_120 = arith.index_cast %mul3A_80 : i32 to index
        %get3A_121 = arith.constant 48 : index
        %get3A_122 = tpu.vector_load %arg8[%get3A_120, %get3A_121] {strides = array<i32>} : memref<8x128xi32, #tpu.memory_space<vmem>>, vector<16xi32>,
        %shift_right_arithmetic3A_123 = arith.constant 7 : i32
        %shift_right_arithmetic3A_124 = vector.broadcast %shift_right_arithmetic3A_123 : i32 to vector<16xi32>
        %shift_right_arithmetic3A_125 = arith.shrsi %get3A_122, %shift_right_arithmetic3A_124 : vector<16xi32>
        %and3A_126 = arith.constant 127 : i32
        %and3A_127 = vector.broadcast %and3A_126 : i32 to vector<16xi32>
        %and3A_128 = arith.andi %get3A_122, %and3A_127 : vector<16xi32>
        tpu.vector_store_idx %arg14[%shift_right_arithmetic3A_125, %and3A_128], %broadcast_in_dim3A_54 {add = true} : memref<80x128xf32, #tpu.memory_space<vmem>>[vector<16xi32>, vector<16xi32>], vector<16xf32>,
        %get3A_129 = arith.index_cast %mul3A_80 : i32 to index
        %get3A_130 = arith.constant 64 : index
        %get3A_131 = tpu.vector_load %arg8[%get3A_129, %get3A_130] {strides = array<i32>} : memref<8x128xi32, #tpu.memory_space<vmem>>, vector<16xi32>,
        %shift_right_arithmetic3A_132 = arith.constant 7 : i32
        %shift_right_arithmetic3A_133 = vector.broadcast %shift_right_arithmetic3A_132 : i32 to vector<16xi32>
        %shift_right_arithmetic3A_134 = arith.shrsi %get3A_131, %shift_right_arithmetic3A_133 : vector<16xi32>
        %and3A_135 = arith.constant 127 : i32
        %and3A_136 = vector.broadcast %and3A_135 : i32 to vector<16xi32>
        %and3A_137 = arith.andi %get3A_131, %and3A_136 : vector<16xi32>
        tpu.vector_store_idx %arg14[%shift_right_arithmetic3A_134, %and3A_137], %broadcast_in_dim3A_54 {add = true} : memref<80x128xf32, #tpu.memory_space<vmem>>[vector<16xi32>, vector<16xi32>], vector<16xf32>,
        %get3A_138 = arith.index_cast %mul3A_80 : i32 to index
        %get3A_139 = arith.constant 80 : index
        %get3A_140 = tpu.vector_load %arg8[%get3A_138, %get3A_139] {strides = array<i32>} : memref<8x128xi32, #tpu.memory_space<vmem>>, vector<16xi32>,
        %shift_right_arithmetic3A_141 = arith.constant 7 : i32
        %shift_right_arithmetic3A_142 = vector.broadcast %shift_right_arithmetic3A_141 : i32 to vector<16xi32>
        %shift_right_arithmetic3A_143 = arith.shrsi %get3A_140, %shift_right_arithmetic3A_142 : vector<16xi32>
        %and3A_144 = arith.constant 127 : i32
        %and3A_145 = vector.broadcast %and3A_144 : i32 to vector<16xi32>
        %and3A_146 = arith.andi %get3A_140, %and3A_145 : vector<16xi32>
        tpu.vector_store_idx %arg14[%shift_right_arithmetic3A_143, %and3A_146], %broadcast_in_dim3A_54 {add = true} : memref<80x128xf32, #tpu.memory_space<vmem>>[vector<16xi32>, vector<16xi32>], vector<16xf32>,
        %get3A_147 = arith.index_cast %mul3A_80 : i32 to index
        %get3A_148 = arith.constant 96 : index
        %get3A_149 = tpu.vector_load %arg8[%get3A_147, %get3A_148] {strides = array<i32>} : memref<8x128xi32, #tpu.memory_space<vmem>>, vector<16xi32>,
        %shift_right_arithmetic3A_150 = arith.constant 7 : i32
        %shift_right_arithmetic3A_151 = vector.broadcast %shift_right_arithmetic3A_150 : i32 to vector<16xi32>
        %shift_right_arithmetic3A_152 = arith.shrsi %get3A_149, %shift_right_arithmetic3A_151 : vector<16xi32>
        %and3A_153 = arith.constant 127 : i32
        %and3A_154 = vector.broadcast %and3A_153 : i32 to vector<16xi32>
        %and3A_155 = arith.andi %get3A_149, %and3A_154 : vector<16xi32>
        tpu.vector_store_idx %arg14[%shift_right_arithmetic3A_152, %and3A_155], %broadcast_in_dim3A_54 {add = true} : memref<80x128xf32, #tpu.memory_space<vmem>>[vector<16xi32>, vector<16xi32>], vector<16xf32>,
        %get3A_156 = arith.index_cast %mul3A_80 : i32 to index
        %get3A_157 = arith.constant 112 : index
        %get3A_158 = tpu.vector_load %arg8[%get3A_156, %get3A_157] {strides = array<i32>} : memref<8x128xi32, #tpu.memory_space<vmem>>, vector<16xi32>,
        %shift_right_arithmetic3A_159 = arith.constant 7 : i32
        %shift_right_arithmetic3A_160 = vector.broadcast %shift_right_arithmetic3A_159 : i32 to vector<16xi32>
        %shift_right_arithmetic3A_161 = arith.shrsi %get3A_158, %shift_right_arithmetic3A_160 : vector<16xi32>
        %and3A_162 = arith.constant 127 : i32
        %and3A_163 = vector.broadcast %and3A_162 : i32 to vector<16xi32>
        %and3A_164 = arith.andi %get3A_158, %and3A_163 : vector<16xi32>
        tpu.vector_store_idx %arg14[%shift_right_arithmetic3A_161, %and3A_164], %broadcast_in_dim3A_54 {add = true} : memref<80x128xf32, #tpu.memory_space<vmem>>[vector<16xi32>, vector<16xi32>], vector<16xf32>,
        %get3A_165 = arith.index_cast %add3A_84 : i32 to index
        %get3A_166 = arith.constant 0 : index
        %get3A_167 = tpu.vector_load %arg8[%get3A_165, %get3A_166] {strides = array<i32>} : memref<8x128xi32, #tpu.memory_space<vmem>>, vector<16xi32>,
        %shift_right_arithmetic3A_168 = arith.constant 7 : i32
        %shift_right_arithmetic3A_169 = vector.broadcast %shift_right_arithmetic3A_168 : i32 to vector<16xi32>
        %shift_right_arithmetic3A_170 = arith.shrsi %get3A_167, %shift_right_arithmetic3A_169 : vector<16xi32>
        %and3A_171 = arith.constant 127 : i32
        %and3A_172 = vector.broadcast %and3A_171 : i32 to vector<16xi32>
        %and3A_173 = arith.andi %get3A_167, %and3A_172 : vector<16xi32>
        tpu.vector_store_idx %arg14[%shift_right_arithmetic3A_170, %and3A_173], %broadcast_in_dim3A_54 {add = true} : memref<80x128xf32, #tpu.memory_space<vmem>>[vector<16xi32>, vector<16xi32>], vector<16xf32>,
        %get3A_174 = arith.index_cast %add3A_84 : i32 to index
        %get3A_175 = arith.constant 16 : index
        %get3A_176 = tpu.vector_load %arg8[%get3A_174, %get3A_175] {strides = array<i32>} : memref<8x128xi32, #tpu.memory_space<vmem>>, vector<16xi32>,
        %shift_right_arithmetic3A_177 = arith.constant 7 : i32
        %shift_right_arithmetic3A_178 = vector.broadcast %shift_right_arithmetic3A_177 : i32 to vector<16xi32>
        %shift_right_arithmetic3A_179 = arith.shrsi %get3A_176, %shift_right_arithmetic3A_178 : vector<16xi32>
        %and3A_180 = arith.constant 127 : i32
        %and3A_181 = vector.broadcast %and3A_180 : i32 to vector<16xi32>
        %and3A_182 = arith.andi %get3A_176, %and3A_181 : vector<16xi32>
        tpu.vector_store_idx %arg14[%shift_right_arithmetic3A_179, %and3A_182], %broadcast_in_dim3A_54 {add = true} : memref<80x128xf32, #tpu.memory_space<vmem>>[vector<16xi32>, vector<16xi32>], vector<16xf32>,
        %get3A_183 = arith.index_cast %add3A_84 : i32 to index
        %get3A_184 = arith.constant 32 : index
        %get3A_185 = tpu.vector_load %arg8[%get3A_183, %get3A_184] {strides = array<i32>} : memref<8x128xi32, #tpu.memory_space<vmem>>, vector<16xi32>,
        %shift_right_arithmetic3A_186 = arith.constant 7 : i32
        %shift_right_arithmetic3A_187 = vector.broadcast %shift_right_arithmetic3A_186 : i32 to vector<16xi32>
        %shift_right_arithmetic3A_188 = arith.shrsi %get3A_185, %shift_right_arithmetic3A_187 : vector<16xi32>
        %and3A_189 = arith.constant 127 : i32
        %and3A_190 = vector.broadcast %and3A_189 : i32 to vector<16xi32>
        %and3A_191 = arith.andi %get3A_185, %and3A_190 : vector<16xi32>
        tpu.vector_store_idx %arg14[%shift_right_arithmetic3A_188, %and3A_191], %broadcast_in_dim3A_54 {add = true} : memref<80x128xf32, #tpu.memory_space<vmem>>[vector<16xi32>, vector<16xi32>], vector<16xf32>,
        %get3A_192 = arith.index_cast %add3A_84 : i32 to index
        %get3A_193 = arith.constant 48 : index
        %get3A_194 = tpu.vector_load %arg8[%get3A_192, %get3A_193] {strides = array<i32>} : memref<8x128xi32, #tpu.memory_space<vmem>>, vector<16xi32>,
        %shift_right_arithmetic3A_195 = arith.constant 7 : i32
        %shift_right_arithmetic3A_196 = vector.broadcast %shift_right_arithmetic3A_195 : i32 to vector<16xi32>
        %shift_right_arithmetic3A_197 = arith.shrsi %get3A_194, %shift_right_arithmetic3A_196 : vector<16xi32>
        %and3A_198 = arith.constant 127 : i32
        %and3A_199 = vector.broadcast %and3A_198 : i32 to vector<16xi32>
        %and3A_200 = arith.andi %get3A_194, %and3A_199 : vector<16xi32>
        tpu.vector_store_idx %arg14[%shift_right_arithmetic3A_197, %and3A_200], %broadcast_in_dim3A_54 {add = true} : memref<80x128xf32, #tpu.memory_space<vmem>>[vector<16xi32>, vector<16xi32>], vector<16xf32>,
        %get3A_201 = arith.index_cast %add3A_84 : i32 to index
        %get3A_202 = arith.constant 64 : index
        %get3A_203 = tpu.vector_load %arg8[%get3A_201, %get3A_202] {strides = array<i32>} : memref<8x128xi32, #tpu.memory_space<vmem>>, vector<16xi32>,
        %shift_right_arithmetic3A_204 = arith.constant 7 : i32
        %shift_right_arithmetic3A_205 = vector.broadcast %shift_right_arithmetic3A_204 : i32 to vector<16xi32>
        %shift_right_arithmetic3A_206 = arith.shrsi %get3A_203, %shift_right_arithmetic3A_205 : vector<16xi32>
        %and3A_207 = arith.constant 127 : i32
        %and3A_208 = vector.broadcast %and3A_207 : i32 to vector<16xi32>
        %and3A_209 = arith.andi %get3A_203, %and3A_208 : vector<16xi32>
        tpu.vector_store_idx %arg14[%shift_right_arithmetic3A_206, %and3A_209], %broadcast_in_dim3A_54 {add = true} : memref<80x128xf32, #tpu.memory_space<vmem>>[vector<16xi32>, vector<16xi32>], vector<16xf32>,
        %get3A_210 = arith.index_cast %add3A_84 : i32 to index
        %get3A_211 = arith.constant 80 : index
        %get3A_212 = tpu.vector_load %arg8[%get3A_210, %get3A_211] {strides = array<i32>} : memref<8x128xi32, #tpu.memory_space<vmem>>, vector<16xi32>,
        %shift_right_arithmetic3A_213 = arith.constant 7 : i32
        %shift_right_arithmetic3A_214 = vector.broadcast %shift_right_arithmetic3A_213 : i32 to vector<16xi32>
        %shift_right_arithmetic3A_215 = arith.shrsi %get3A_212, %shift_right_arithmetic3A_214 : vector<16xi32>
        %and3A_216 = arith.constant 127 : i32
        %and3A_217 = vector.broadcast %and3A_216 : i32 to vector<16xi32>
        %and3A_218 = arith.andi %get3A_212, %and3A_217 : vector<16xi32>
        tpu.vector_store_idx %arg14[%shift_right_arithmetic3A_215, %and3A_218], %broadcast_in_dim3A_54 {add = true} : memref<80x128xf32, #tpu.memory_space<vmem>>[vector<16xi32>, vector<16xi32>], vector<16xf32>,
        %get3A_219 = arith.index_cast %add3A_84 : i32 to index
        %get3A_220 = arith.constant 96 : index
        %get3A_221 = tpu.vector_load %arg8[%get3A_219, %get3A_220] {strides = array<i32>} : memref<8x128xi32, #tpu.memory_space<vmem>>, vector<16xi32>,
        %shift_right_arithmetic3A_222 = arith.constant 7 : i32
        %shift_right_arithmetic3A_223 = vector.broadcast %shift_right_arithmetic3A_222 : i32 to vector<16xi32>
        %shift_right_arithmetic3A_224 = arith.shrsi %get3A_221, %shift_right_arithmetic3A_223 : vector<16xi32>
        %and3A_225 = arith.constant 127 : i32
        %and3A_226 = vector.broadcast %and3A_225 : i32 to vector<16xi32>
        %and3A_227 = arith.andi %get3A_221, %and3A_226 : vector<16xi32>
        tpu.vector_store_idx %arg14[%shift_right_arithmetic3A_224, %and3A_227], %broadcast_in_dim3A_54 {add = true} : memref<80x128xf32, #tpu.memory_space<vmem>>[vector<16xi32>, vector<16xi32>], vector<16xf32>,
        %get3A_228 = arith.index_cast %add3A_84 : i32 to index
        %get3A_229 = arith.constant 112 : index
        %get3A_230 = tpu.vector_load %arg8[%get3A_228, %get3A_229] {strides = array<i32>} : memref<8x128xi32, #tpu.memory_space<vmem>>, vector<16xi32>,
        %shift_right_arithmetic3A_231 = arith.constant 7 : i32
        %shift_right_arithmetic3A_232 = vector.broadcast %shift_right_arithmetic3A_231 : i32 to vector<16xi32>
        %shift_right_arithmetic3A_233 = arith.shrsi %get3A_230, %shift_right_arithmetic3A_232 : vector<16xi32>
        %and3A_234 = arith.constant 127 : i32
        %and3A_235 = vector.broadcast %and3A_234 : i32 to vector<16xi32>
        %and3A_236 = arith.andi %get3A_230, %and3A_235 : vector<16xi32>
        tpu.vector_store_idx %arg14[%shift_right_arithmetic3A_233, %and3A_236], %broadcast_in_dim3A_54 {add = true} : memref<80x128xf32, #tpu.memory_space<vmem>>[vector<16xi32>, vector<16xi32>], vector<16xf32>,
        %dma_wait3A = arith.constant 0 : i32
        %dma_wait3A_237 = tpu.memref_slice %arg7[%mul3A_80, %dma_wait3A] : memref<8x128xi32, #tpu.memory_space<vmem>> -> memref<1x128xi32, #tpu.memory_space<vmem>>
        %dma_wait3A_238 = tpu.memref_squeeze %dma_wait3A_237 : memref<1x128xi32, #tpu.memory_space<vmem>> -> memref<128xi32, #tpu.memory_space<vmem>>
        %dma_wait3A_239 = arith.constant 0 : i32
        %dma_wait3A_240 = arith.constant 0 : i32
        %dma_wait3A_241 = tpu.memref_slice %arg2[%dma_wait3A_239, %dma_wait3A_240] : memref<10240x128xf32, #tpu.memory_space<hbm>> -> memref<10240x128xf32, #tpu.memory_space<hbm>>
        tpu.wait_indirect_dma semaphore(%arg12 : memref<!tpu.dma_semaphore, #tpu.memory_space<semaphore_mem>>) src(%dma_wait3A_241 : memref<10240x128xf32, #tpu.memory_space<hbm>>) dst(%arg9 : memref<128x128xf32, #tpu.memory_space<vmem>>)
        "tpu.region"() ({
          %run_scoped3A = tpu.sem_alloc : memref<!tpu.dma_semaphore, #tpu.memory_space<semaphore_mem>>
          %dma_start3A_248 = arith.constant 0 : i32
          %dma_start3A_249 = tpu.memref_slice %arg8[%mul3A_80, %dma_start3A_248] : memref<8x128xi32, #tpu.memory_space<vmem>> -> memref<1x128xi32, #tpu.memory_space<vmem>>
          %dma_start3A_250 = tpu.memref_squeeze %dma_start3A_249 : memref<1x128xi32, #tpu.memory_space<vmem>> -> memref<128xi32, #tpu.memory_space<vmem>>
          %dma_start3A_251 = arith.constant 0 : i32
          %dma_start3A_252 = arith.constant 0 : i32
          %dma_start3A_253 = tpu.memref_slice %arg11[%dma_start3A_251, %dma_start3A_252] : memref<10240x128xf32, #tpu.memory_space<vmem_shared>> -> memref<10240x128xf32, #tpu.memory_space<vmem_shared>>
          tpu.enqueue_indirect_dma source(%arg9 : memref<128x128xf32, #tpu.memory_space<vmem>>) target(%dma_start3A_253 : memref<10240x128xf32, #tpu.memory_space<vmem_shared>>) offsets(%dma_start3A_250 : memref<128xi32, #tpu.memory_space<vmem>>) semaphore(%run_scoped3A : memref<!tpu.dma_semaphore, #tpu.memory_space<semaphore_mem>>) {add = true}
          %dma_wait3A_254 = arith.constant 0 : i32
          %dma_wait3A_255 = tpu.memref_slice %arg8[%mul3A_80, %dma_wait3A_254] : memref<8x128xi32, #tpu.memory_space<vmem>> -> memref<1x128xi32, #tpu.memory_space<vmem>>
          %dma_wait3A_256 = tpu.memref_squeeze %dma_wait3A_255 : memref<1x128xi32, #tpu.memory_space<vmem>> -> memref<128xi32, #tpu.memory_space<vmem>>
          %dma_wait3A_257 = arith.constant 0 : i32
          %dma_wait3A_258 = arith.constant 0 : i32
          %dma_wait3A_259 = tpu.memref_slice %arg11[%dma_wait3A_257, %dma_wait3A_258] : memref<10240x128xf32, #tpu.memory_space<vmem_shared>> -> memref<10240x128xf32, #tpu.memory_space<vmem_shared>>
          tpu.wait_indirect_dma semaphore(%run_scoped3A : memref<!tpu.dma_semaphore, #tpu.memory_space<semaphore_mem>>) src(%arg9 : memref<128x128xf32, #tpu.memory_space<vmem>>) dst(%dma_wait3A_259 : memref<10240x128xf32, #tpu.memory_space<vmem_shared>>)
          tpu.yield
        }) : () -> ()
        %dma_wait3A_242 = arith.constant 0 : i32
        %dma_wait3A_243 = tpu.memref_slice %arg7[%add3A_84, %dma_wait3A_242] : memref<8x128xi32, #tpu.memory_space<vmem>> -> memref<1x128xi32, #tpu.memory_space<vmem>>
        %dma_wait3A_244 = tpu.memref_squeeze %dma_wait3A_243 : memref<1x128xi32, #tpu.memory_space<vmem>> -> memref<128xi32, #tpu.memory_space<vmem>>
        %dma_wait3A_245 = arith.constant 0 : i32
        %dma_wait3A_246 = arith.constant 0 : i32
        %dma_wait3A_247 = tpu.memref_slice %arg2[%dma_wait3A_245, %dma_wait3A_246] : memref<10240x128xf32, #tpu.memory_space<hbm>> -> memref<10240x128xf32, #tpu.memory_space<hbm>>
        tpu.wait_indirect_dma semaphore(%arg13 : memref<!tpu.dma_semaphore, #tpu.memory_space<semaphore_mem>>) src(%dma_wait3A_247 : memref<10240x128xf32, #tpu.memory_space<hbm>>) dst(%arg10 : memref<128x128xf32, #tpu.memory_space<vmem>>)
        "tpu.region"() ({
          %run_scoped3A = tpu.sem_alloc : memref<!tpu.dma_semaphore, #tpu.memory_space<semaphore_mem>>
          %dma_start3A_248 = arith.constant 0 : i32
          %dma_start3A_249 = tpu.memref_slice %arg8[%add3A_84, %dma_start3A_248] : memref<8x128xi32, #tpu.memory_space<vmem>> -> memref<1x128xi32, #tpu.memory_space<vmem>>
          %dma_start3A_250 = tpu.memref_squeeze %dma_start3A_249 : memref<1x128xi32, #tpu.memory_space<vmem>> -> memref<128xi32, #tpu.memory_space<vmem>>
          %dma_start3A_251 = arith.constant 0 : i32
          %dma_start3A_252 = arith.constant 0 : i32
          %dma_start3A_253 = tpu.memref_slice %arg11[%dma_start3A_251, %dma_start3A_252] : memref<10240x128xf32, #tpu.memory_space<vmem_shared>> -> memref<10240x128xf32, #tpu.memory_space<vmem_shared>>
          tpu.enqueue_indirect_dma source(%arg10 : memref<128x128xf32, #tpu.memory_space<vmem>>) target(%dma_start3A_253 : memref<10240x128xf32, #tpu.memory_space<vmem_shared>>) offsets(%dma_start3A_250 : memref<128xi32, #tpu.memory_space<vmem>>) semaphore(%run_scoped3A : memref<!tpu.dma_semaphore, #tpu.memory_space<semaphore_mem>>) {add = true}
          %dma_wait3A_254 = arith.constant 0 : i32
          %dma_wait3A_255 = tpu.memref_slice %arg8[%add3A_84, %dma_wait3A_254] : memref<8x128xi32, #tpu.memory_space<vmem>> -> memref<1x128xi32, #tpu.memory_space<vmem>>
          %dma_wait3A_256 = tpu.memref_squeeze %dma_wait3A_255 : memref<1x128xi32, #tpu.memory_space<vmem>> -> memref<128xi32, #tpu.memory_space<vmem>>
          %dma_wait3A_257 = arith.constant 0 : i32
          %dma_wait3A_258 = arith.constant 0 : i32
          %dma_wait3A_259 = tpu.memref_slice %arg11[%dma_wait3A_257, %dma_wait3A_258] : memref<10240x128xf32, #tpu.memory_space<vmem_shared>> -> memref<10240x128xf32, #tpu.memory_space<vmem_shared>>
          tpu.wait_indirect_dma semaphore(%run_scoped3A : memref<!tpu.dma_semaphore, #tpu.memory_space<semaphore_mem>>) src(%arg10 : memref<128x128xf32, #tpu.memory_space<vmem>>) dst(%dma_wait3A_259 : memref<10240x128xf32, #tpu.memory_space<vmem_shared>>)
          tpu.yield
        }) : () -> ()
      }
      %scan3A_77 = arith.constant 4 : i32
    }
    %scan3A_60 = arith.constant 10 : i32
    %barrier3A_61 = arith.constant 0 : index
    tpu.barrier barrier_id(%barrier3A_61)
    "tpu.region"() ({
      %run_scoped3A = tpu.sem_alloc : memref<!tpu.dma_semaphore, #tpu.memory_space<semaphore_mem>>
      %dma_start3A = arith.constant 0 : i32
      %dma_start3A_68 = tpu.memref_slice %arg5[%arg0, %mul3A_2, %dma_start3A] : memref<2x10240x128xf32, #tpu.memory_space<hbm>> -> memref<1x640x128xf32, #tpu.memory_space<hbm>>
      %dma_start3A_69 = tpu.memref_squeeze %dma_start3A_68 : memref<1x640x128xf32, #tpu.memory_space<hbm>> -> memref<640x128xf32, #tpu.memory_space<hbm>>
      %dma_start3A_70 = arith.constant 0 : i32
      %dma_start3A_71 = tpu.memref_slice %arg11[%mul3A_2, %dma_start3A_70] : memref<10240x128xf32, #tpu.memory_space<vmem_shared>> -> memref<640x128xf32, #tpu.memory_space<vmem_shared>>
      tpu.enqueue_dma source(%dma_start3A_71 : memref<640x128xf32, #tpu.memory_space<vmem_shared>>) target(%dma_start3A_69 : memref<640x128xf32, #tpu.memory_space<hbm>>) target_semaphore(%run_scoped3A : memref<!tpu.dma_semaphore, #tpu.memory_space<semaphore_mem>>)
      %dma_wait3A = arith.constant 0 : i32
      %dma_wait3A_72 = tpu.memref_slice %arg5[%arg0, %mul3A_2, %dma_wait3A] : memref<2x10240x128xf32, #tpu.memory_space<hbm>> -> memref<1x640x128xf32, #tpu.memory_space<hbm>>
      %dma_wait3A_73 = tpu.memref_squeeze %dma_wait3A_72 : memref<1x640x128xf32, #tpu.memory_space<hbm>> -> memref<640x128xf32, #tpu.memory_space<hbm>>
      %dma_wait3A_74 = arith.constant 0 : i32
      %dma_wait3A_75 = tpu.memref_slice %arg11[%mul3A_2, %dma_wait3A_74] : memref<10240x128xf32, #tpu.memory_space<vmem_shared>> -> memref<640x128xf32, #tpu.memory_space<vmem_shared>>
      tpu.wait_dma2 semaphore(%run_scoped3A : memref<!tpu.dma_semaphore, #tpu.memory_space<semaphore_mem>>) src(%dma_wait3A_75 : memref<640x128xf32, #tpu.memory_space<vmem_shared>>) dst(%dma_wait3A_73 : memref<640x128xf32, #tpu.memory_space<hbm>>)
      tpu.yield
    }) : () -> ()
    "tpu.region"() ({
      %run_scoped3A = tpu.sem_alloc : memref<!tpu.dma_semaphore, #tpu.memory_space<semaphore_mem>>
      %dma_start3A = arith.constant 0 : i32
      %dma_start3A_68 = arith.constant 0 : i32
      %dma_start3A_69 = tpu.memref_slice %arg16[%dma_start3A, %dma_start3A_68] : memref<80x128xf32, #tpu.memory_space<vmem_shared>> -> memref<80x128xf32, #tpu.memory_space<vmem_shared>>
      tpu.enqueue_indirect_dma source(%arg14 : memref<80x128xf32, #tpu.memory_space<vmem>>) target(%dma_start3A_69 : memref<80x128xf32, #tpu.memory_space<vmem_shared>>) offsets(%arg15 : memref<80xi32, #tpu.memory_space<vmem>>) semaphore(%run_scoped3A : memref<!tpu.dma_semaphore, #tpu.memory_space<semaphore_mem>>) {add = true}
      %dma_wait3A = arith.constant 0 : i32
      %dma_wait3A_70 = arith.constant 0 : i32
      %dma_wait3A_71 = tpu.memref_slice %arg16[%dma_wait3A, %dma_wait3A_70] : memref<80x128xf32, #tpu.memory_space<vmem_shared>> -> memref<80x128xf32, #tpu.memory_space<vmem_shared>>
      tpu.wait_indirect_dma semaphore(%run_scoped3A : memref<!tpu.dma_semaphore, #tpu.memory_space<semaphore_mem>>) src(%arg14 : memref<80x128xf32, #tpu.memory_space<vmem>>) dst(%dma_wait3A_71 : memref<80x128xf32, #tpu.memory_space<vmem_shared>>)
      tpu.yield
    }) : () -> ()
    %barrier3A_62 = arith.constant 0 : index
    tpu.barrier barrier_id(%barrier3A_62)
    %lt3A_63 = arith.constant 10 : i32
    %lt3A_64 = arith.cmpi slt, %arg1, %lt3A_63 : i32
    %convert_element_type3A_65 = arith.extui %lt3A_64 : i1 to i32
    %cond3A_66 = arith.constant 0 : i32
    %cond3A_67 = arith.cmpi ne, %convert_element_type3A_65, %cond3A_66 : i32
    scf.if %cond3A_67 {
      %mul3A_68 = arith.constant 8 : i32
      %mul3A_69 = arith.muli %arg1, %mul3A_68 : i32
      %mul3A_70 = arith.constant 8 : i32
      %mul3A_71 = arith.muli %arg1, %mul3A_70 : i32
      "tpu.region"() ({
        %run_scoped3A = tpu.sem_alloc : memref<!tpu.dma_semaphore, #tpu.memory_space<semaphore_mem>>
        %dma_start3A = arith.constant 0 : i32
        %dma_start3A_72 = tpu.memref_slice %arg6[%arg0, %mul3A_71, %dma_start3A] : memref<2x80x128xf32, #tpu.memory_space<hbm>> -> memref<1x8x128xf32, #tpu.memory_space<hbm>>
        %dma_start3A_73 = tpu.memref_squeeze %dma_start3A_72 : memref<1x8x128xf32, #tpu.memory_space<hbm>> -> memref<8x128xf32, #tpu.memory_space<hbm>>
        %dma_start3A_74 = arith.constant 0 : i32
        %dma_start3A_75 = tpu.memref_slice %arg16[%mul3A_69, %dma_start3A_74] : memref<80x128xf32, #tpu.memory_space<vmem_shared>> -> memref<8x128xf32, #tpu.memory_space<vmem_shared>>
        tpu.enqueue_dma source(%dma_start3A_75 : memref<8x128xf32, #tpu.memory_space<vmem_shared>>) target(%dma_start3A_73 : memref<8x128xf32, #tpu.memory_space<hbm>>) target_semaphore(%run_scoped3A : memref<!tpu.dma_semaphore, #tpu.memory_space<semaphore_mem>>)
        %dma_wait3A = arith.constant 0 : i32
        %dma_wait3A_76 = tpu.memref_slice %arg6[%arg0, %mul3A_71, %dma_wait3A] : memref<2x80x128xf32, #tpu.memory_space<hbm>> -> memref<1x8x128xf32, #tpu.memory_space<hbm>>
        %dma_wait3A_77 = tpu.memref_squeeze %dma_wait3A_76 : memref<1x8x128xf32, #tpu.memory_space<hbm>> -> memref<8x128xf32, #tpu.memory_space<hbm>>
        %dma_wait3A_78 = arith.constant 0 : i32
        %dma_wait3A_79 = tpu.memref_slice %arg16[%mul3A_69, %dma_wait3A_78] : memref<80x128xf32, #tpu.memory_space<vmem_shared>> -> memref<8x128xf32, #tpu.memory_space<vmem_shared>>
        tpu.wait_dma2 semaphore(%run_scoped3A : memref<!tpu.dma_semaphore, #tpu.memory_space<semaphore_mem>>) src(%dma_wait3A_79 : memref<8x128xf32, #tpu.memory_space<vmem_shared>>) dst(%dma_wait3A_77 : memref<8x128xf32, #tpu.memory_space<hbm>>)
        tpu.yield
      }) : () -> ()
    } else {
    }
    return
  }
}

module attributes {stable_mosaic.version = 14 : i64} {
  func.func @_lin_body(%arg0: i32, %arg1: memref<512x128xf32, #tpu.memory_space<vmem>>, %arg2: memref<128x128xf32, #tpu.memory_space<vmem>>, %arg3: memref<128x128xf32, #tpu.memory_space<vmem>>, %arg4: memref<1x128xf32, #tpu.memory_space<vmem>>, %arg5: memref<512x128xf32, #tpu.memory_space<vmem>>, %arg6: memref<512x128xf32, #tpu.memory_space<vmem>>) attributes {dimension_semantics = [#tpu.dimension_semantics<arbitrary>], iteration_bounds = array<i64: 20>, scalar_prefetch = 0 : i64, scratch_operands = 0 : i64, tpu.core_type = #tpu.core_type<tc>, window_params = [{transform_indices = @transform_0, window_bounds = array<i64: 512, 128>}, {pipeline_mode = #tpu.pipeline_mode<synchronous>, transform_indices = @transform_1, window_bounds = array<i64: 128, 128>}, {pipeline_mode = #tpu.pipeline_mode<synchronous>, transform_indices = @transform_2, window_bounds = array<i64: 128, 128>}, {pipeline_mode = #tpu.pipeline_mode<synchronous>, transform_indices = @transform_3, window_bounds = array<i64: 1, 128>}, {transform_indices = @transform_4, window_bounds = array<i64: 512, 128>}, {transform_indices = @transform_5, window_bounds = array<i64: 512, 128>}]} {
    %get3A = arith.constant 0 : index
    %get3A_0 = arith.constant 0 : index
    %get3A_1 = vector.load %arg1[%get3A, %get3A_0] : memref<512x128xf32, #tpu.memory_space<vmem>>, vector<512x128xf32>
    %get3A_2 = arith.constant 0 : index
    %get3A_3 = arith.constant 0 : index
    %get3A_4 = vector.load %arg2[%get3A_2, %get3A_3] : memref<128x128xf32, #tpu.memory_space<vmem>>, vector<128x128xf32>
    %dot_general3A = arith.constant dense<0.000000e+00> : vector<512x128xf32>
    %dot_general3A_5 = tpu.matmul %get3A_1, %get3A_4, %dot_general3A {dimension_numbers = #tpu.dot_dimension_numbers<[1], [1], [0], [0], [0, 0, 1, 0], [], []>, transpose_lhs_hint = false} : vector<512x128xf32>, vector<128x128xf32>, vector<512x128xf32> -> vector<512x128xf32>
    %swap3A = arith.constant 0 : index
    %swap3A_6 = arith.constant 0 : index
    %swap3A_7 = vector.load %arg5[%swap3A, %swap3A_6] : memref<512x128xf32, #tpu.memory_space<vmem>>, vector<512x128xf32>
    tpu.vector_store %arg5[%swap3A, %swap3A_6], %dot_general3A_5 {strides = array<i32>} : memref<512x128xf32, #tpu.memory_space<vmem>>, vector<512x128xf32>,
    %get3A_8 = arith.constant 0 : index
    %get3A_9 = arith.constant 0 : index
    %get3A_10 = vector.load %arg3[%get3A_8, %get3A_9] : memref<128x128xf32, #tpu.memory_space<vmem>>, vector<128x128xf32>
    %dot_general3A_11 = arith.constant dense<0.000000e+00> : vector<512x128xf32>
    %dot_general3A_12 = tpu.matmul %get3A_1, %get3A_10, %dot_general3A_11 {dimension_numbers = #tpu.dot_dimension_numbers<[1], [1], [0], [0], [0, 0, 1, 0], [], []>, transpose_lhs_hint = false} : vector<512x128xf32>, vector<128x128xf32>, vector<512x128xf32> -> vector<512x128xf32>
    %get3A_13 = arith.constant 0 : index
    %get3A_14 = arith.constant 0 : index
    %get3A_15 = vector.load %arg4[%get3A_13, %get3A_14] : memref<1x128xf32, #tpu.memory_space<vmem>>, vector<1x128xf32>
    %add3A = vector.broadcast %get3A_15 : vector<1x128xf32> to vector<512x128xf32>
    %add3A_16 = arith.addf %dot_general3A_12, %add3A : vector<512x128xf32>
    %swap3A_17 = arith.constant 0 : index
    %swap3A_18 = arith.constant 0 : index
    %swap3A_19 = vector.load %arg6[%swap3A_17, %swap3A_18] : memref<512x128xf32, #tpu.memory_space<vmem>>, vector<512x128xf32>
    tpu.vector_store %arg6[%swap3A_17, %swap3A_18], %add3A_16 {strides = array<i32>} : memref<512x128xf32, #tpu.memory_space<vmem>>, vector<512x128xf32>,
    return
  }
  func.func @transform_0(%arg0: i32) -> (i32, i32) {
    %c0_i32 = arith.constant 0 : i32
    %c0_i32_0 = arith.constant 0 : i32
    return %arg0, %c0_i32 : i32, i32
  }
  func.func @transform_1(%arg0: i32) -> (i32, i32) {
    %c0_i32 = arith.constant 0 : i32
    %c0_i32_0 = arith.constant 0 : i32
    %c0_i32_1 = arith.constant 0 : i32
    return %c0_i32, %c0_i32_0 : i32, i32
  }
  func.func @transform_2(%arg0: i32) -> (i32, i32) {
    %c0_i32 = arith.constant 0 : i32
    %c0_i32_0 = arith.constant 0 : i32
    %c0_i32_1 = arith.constant 0 : i32
    return %c0_i32, %c0_i32_0 : i32, i32
  }
  func.func @transform_3(%arg0: i32) -> (i32, i32) {
    %c0_i32 = arith.constant 0 : i32
    %c0_i32_0 = arith.constant 0 : i32
    %c0_i32_1 = arith.constant 0 : i32
    return %c0_i32, %c0_i32_0 : i32, i32
  }
  func.func @transform_4(%arg0: i32) -> (i32, i32) {
    %c0_i32 = arith.constant 0 : i32
    %c0_i32_0 = arith.constant 0 : i32
    return %arg0, %c0_i32 : i32, i32
  }
  func.func @transform_5(%arg0: i32) -> (i32, i32) {
    %c0_i32 = arith.constant 0 : i32
    %c0_i32_0 = arith.constant 0 : i32
    return %arg0, %c0_i32 : i32, i32
  }
}

module attributes {stable_mosaic.version = 14 : i64} {
  func.func @_mid_body(%arg0: i32, %arg1: memref<2x512x128xf32, #tpu.memory_space<vmem>>, %arg2: memref<2x512x1xf32, #tpu.memory_space<vmem>>, %arg3: memref<512x128xf32, #tpu.memory_space<vmem>>, %arg4: memref<128x128xf32, #tpu.memory_space<vmem>>, %arg5: memref<128x128xf32, #tpu.memory_space<vmem>>, %arg6: memref<1x128xf32, #tpu.memory_space<vmem>>, %arg7: memref<512x128xf32, #tpu.memory_space<vmem>>, %arg8: memref<512x128xf32, #tpu.memory_space<vmem>>) attributes {dimension_semantics = [#tpu.dimension_semantics<arbitrary>], iteration_bounds = array<i64: 20>, scalar_prefetch = 0 : i64, scratch_operands = 0 : i64, tpu.core_type = #tpu.core_type<tc>, window_params = [{transform_indices = @transform_0, window_bounds = array<i64: 2, 512, 128>}, {transform_indices = @transform_1, window_bounds = array<i64: 2, 512, 1>}, {transform_indices = @transform_2, window_bounds = array<i64: 512, 128>}, {pipeline_mode = #tpu.pipeline_mode<synchronous>, transform_indices = @transform_3, window_bounds = array<i64: 128, 128>}, {pipeline_mode = #tpu.pipeline_mode<synchronous>, transform_indices = @transform_4, window_bounds = array<i64: 128, 128>}, {pipeline_mode = #tpu.pipeline_mode<synchronous>, transform_indices = @transform_5, window_bounds = array<i64: 1, 128>}, {transform_indices = @transform_6, window_bounds = array<i64: 512, 128>}, {transform_indices = @transform_7, window_bounds = array<i64: 512, 128>}]} {
    %get3A = arith.constant 0 : index
    %get3A_0 = arith.constant 0 : index
    %get3A_1 = arith.constant 0 : index
    %get3A_2 = vector.load %arg1[%get3A, %get3A_0, %get3A_1] : memref<2x512x128xf32, #tpu.memory_space<vmem>>, vector<2x512x128xf32>
    %get3A_3 = arith.constant 0 : index
    %get3A_4 = arith.constant 0 : index
    %get3A_5 = arith.constant 0 : index
    %get3A_6 = vector.load %arg2[%get3A_3, %get3A_4, %get3A_5] : memref<2x512x1xf32, #tpu.memory_space<vmem>>, vector<2x512x1xf32>
    %slice3A = vector.extract_strided_slice %get3A_6 {offsets = [0, 0, 0], sizes = [1, 512, 1], strides = [1, 1, 1]} : vector<2x512x1xf32> to vector<1x512x1xf32>
    %squeeze3A = vector.shape_cast %slice3A : vector<1x512x1xf32> to vector<512x1xf32>
    %slice3A_7 = vector.extract_strided_slice %get3A_6 {offsets = [1, 0, 0], sizes = [1, 512, 1], strides = [1, 1, 1]} : vector<2x512x1xf32> to vector<1x512x1xf32>
    %squeeze3A_8 = vector.shape_cast %slice3A_7 : vector<1x512x1xf32> to vector<512x1xf32>
    %add3A = arith.addf %squeeze3A, %squeeze3A_8 : vector<512x1xf32>
    %max3A = arith.constant 1.000000e+00 : f32
    %max3A_9 = vector.broadcast %max3A : f32 to vector<512x1xf32>
    %max3A_10 = arith.maximumf %add3A, %max3A_9 : vector<512x1xf32>
    %div3A = arith.constant 1.000000e+00 : f32
    %div3A_11 = vector.broadcast %div3A : f32 to vector<512x1xf32>
    %div3A_12 = arith.divf %div3A_11, %max3A_10 : vector<512x1xf32>
    %slice3A_13 = vector.extract_strided_slice %get3A_2 {offsets = [0, 0, 0], sizes = [1, 512, 128], strides = [1, 1, 1]} : vector<2x512x128xf32> to vector<1x512x128xf32>
    %squeeze3A_14 = vector.shape_cast %slice3A_13 : vector<1x512x128xf32> to vector<512x128xf32>
    %slice3A_15 = vector.extract_strided_slice %get3A_2 {offsets = [1, 0, 0], sizes = [1, 512, 128], strides = [1, 1, 1]} : vector<2x512x128xf32> to vector<1x512x128xf32>
    %squeeze3A_16 = vector.shape_cast %slice3A_15 : vector<1x512x128xf32> to vector<512x128xf32>
    %add3A_17 = arith.addf %squeeze3A_14, %squeeze3A_16 : vector<512x128xf32>
    %mul3A = vector.broadcast %div3A_12 : vector<512x1xf32> to vector<512x128xf32>
    %mul3A_18 = arith.mulf %add3A_17, %mul3A : vector<512x128xf32>
    %get3A_19 = arith.constant 0 : index
    %get3A_20 = arith.constant 0 : index
    %get3A_21 = vector.load %arg3[%get3A_19, %get3A_20] : memref<512x128xf32, #tpu.memory_space<vmem>>, vector<512x128xf32>
    %add3A_22 = arith.addf %mul3A_18, %get3A_21 : vector<512x128xf32>
    %max3A_23 = arith.constant 0.000000e+00 : f32
    %max3A_24 = vector.broadcast %max3A_23 : f32 to vector<512x128xf32>
    %max3A_25 = arith.maximumf %add3A_22, %max3A_24 : vector<512x128xf32>
    %get3A_26 = arith.constant 0 : index
    %get3A_27 = arith.constant 0 : index
    %get3A_28 = vector.load %arg4[%get3A_26, %get3A_27] : memref<128x128xf32, #tpu.memory_space<vmem>>, vector<128x128xf32>
    %dot_general3A = arith.constant dense<0.000000e+00> : vector<512x128xf32>
    %dot_general3A_29 = tpu.matmul %max3A_25, %get3A_28, %dot_general3A {dimension_numbers = #tpu.dot_dimension_numbers<[1], [1], [0], [0], [0, 0, 1, 0], [], []>, transpose_lhs_hint = false} : vector<512x128xf32>, vector<128x128xf32>, vector<512x128xf32> -> vector<512x128xf32>
    %swap3A = arith.constant 0 : index
    %swap3A_30 = arith.constant 0 : index
    %swap3A_31 = vector.load %arg7[%swap3A, %swap3A_30] : memref<512x128xf32, #tpu.memory_space<vmem>>, vector<512x128xf32>
    tpu.vector_store %arg7[%swap3A, %swap3A_30], %dot_general3A_29 {strides = array<i32>} : memref<512x128xf32, #tpu.memory_space<vmem>>, vector<512x128xf32>,
    %get3A_32 = arith.constant 0 : index
    %get3A_33 = arith.constant 0 : index
    %get3A_34 = vector.load %arg5[%get3A_32, %get3A_33] : memref<128x128xf32, #tpu.memory_space<vmem>>, vector<128x128xf32>
    %dot_general3A_35 = arith.constant dense<0.000000e+00> : vector<512x128xf32>
    %dot_general3A_36 = tpu.matmul %max3A_25, %get3A_34, %dot_general3A_35 {dimension_numbers = #tpu.dot_dimension_numbers<[1], [1], [0], [0], [0, 0, 1, 0], [], []>, transpose_lhs_hint = false} : vector<512x128xf32>, vector<128x128xf32>, vector<512x128xf32> -> vector<512x128xf32>
    %get3A_37 = arith.constant 0 : index
    %get3A_38 = arith.constant 0 : index
    %get3A_39 = vector.load %arg6[%get3A_37, %get3A_38] : memref<1x128xf32, #tpu.memory_space<vmem>>, vector<1x128xf32>
    %add3A_40 = vector.broadcast %get3A_39 : vector<1x128xf32> to vector<512x128xf32>
    %add3A_41 = arith.addf %dot_general3A_36, %add3A_40 : vector<512x128xf32>
    %swap3A_42 = arith.constant 0 : index
    %swap3A_43 = arith.constant 0 : index
    %swap3A_44 = vector.load %arg8[%swap3A_42, %swap3A_43] : memref<512x128xf32, #tpu.memory_space<vmem>>, vector<512x128xf32>
    tpu.vector_store %arg8[%swap3A_42, %swap3A_43], %add3A_41 {strides = array<i32>} : memref<512x128xf32, #tpu.memory_space<vmem>>, vector<512x128xf32>,
    return
  }
  func.func @transform_0(%arg0: i32) -> (i32, i32, i32) {
    %c0_i32 = arith.constant 0 : i32
    %c0_i32_0 = arith.constant 0 : i32
    %c0_i32_1 = arith.constant 0 : i32
    return %c0_i32, %arg0, %c0_i32_0 : i32, i32, i32
  }
  func.func @transform_1(%arg0: i32) -> (i32, i32, i32) {
    %c0_i32 = arith.constant 0 : i32
    %c0_i32_0 = arith.constant 0 : i32
    %c0_i32_1 = arith.constant 0 : i32
    return %c0_i32, %arg0, %c0_i32_0 : i32, i32, i32
  }
  func.func @transform_2(%arg0: i32) -> (i32, i32) {
    %c0_i32 = arith.constant 0 : i32
    %c0_i32_0 = arith.constant 0 : i32
    return %arg0, %c0_i32 : i32, i32
  }
  func.func @transform_3(%arg0: i32) -> (i32, i32) {
    %c0_i32 = arith.constant 0 : i32
    %c0_i32_0 = arith.constant 0 : i32
    %c0_i32_1 = arith.constant 0 : i32
    return %c0_i32, %c0_i32_0 : i32, i32
  }
  func.func @transform_4(%arg0: i32) -> (i32, i32) {
    %c0_i32 = arith.constant 0 : i32
    %c0_i32_0 = arith.constant 0 : i32
    %c0_i32_1 = arith.constant 0 : i32
    return %c0_i32, %c0_i32_0 : i32, i32
  }
  func.func @transform_5(%arg0: i32) -> (i32, i32) {
    %c0_i32 = arith.constant 0 : i32
    %c0_i32_0 = arith.constant 0 : i32
    %c0_i32_1 = arith.constant 0 : i32
    return %c0_i32, %c0_i32_0 : i32, i32
  }
  func.func @transform_6(%arg0: i32) -> (i32, i32) {
    %c0_i32 = arith.constant 0 : i32
    %c0_i32_0 = arith.constant 0 : i32
    return %arg0, %c0_i32 : i32, i32
  }
  func.func @transform_7(%arg0: i32) -> (i32, i32) {
    %c0_i32 = arith.constant 0 : i32
    %c0_i32_0 = arith.constant 0 : i32
    return %arg0, %c0_i32 : i32, i32
  }
}

module attributes {stable_mosaic.version = 14 : i64} {
  func.func @_fin_body(%arg0: i32, %arg1: memref<2x512x128xf32, #tpu.memory_space<vmem>>, %arg2: memref<2x512x1xf32, #tpu.memory_space<vmem>>, %arg3: memref<512x128xf32, #tpu.memory_space<vmem>>, %arg4: memref<512x128xf32, #tpu.memory_space<vmem>>) attributes {dimension_semantics = [#tpu.dimension_semantics<arbitrary>], iteration_bounds = array<i64: 20>, scalar_prefetch = 0 : i64, scratch_operands = 0 : i64, tpu.core_type = #tpu.core_type<tc>, window_params = [{transform_indices = @transform_0, window_bounds = array<i64: 2, 512, 128>}, {transform_indices = @transform_1, window_bounds = array<i64: 2, 512, 1>}, {transform_indices = @transform_2, window_bounds = array<i64: 512, 128>}, {transform_indices = @transform_3, window_bounds = array<i64: 512, 128>}]} {
    %get3A = arith.constant 0 : index
    %get3A_0 = arith.constant 0 : index
    %get3A_1 = arith.constant 0 : index
    %get3A_2 = vector.load %arg1[%get3A, %get3A_0, %get3A_1] : memref<2x512x128xf32, #tpu.memory_space<vmem>>, vector<2x512x128xf32>
    %get3A_3 = arith.constant 0 : index
    %get3A_4 = arith.constant 0 : index
    %get3A_5 = arith.constant 0 : index
    %get3A_6 = vector.load %arg2[%get3A_3, %get3A_4, %get3A_5] : memref<2x512x1xf32, #tpu.memory_space<vmem>>, vector<2x512x1xf32>
    %slice3A = vector.extract_strided_slice %get3A_6 {offsets = [0, 0, 0], sizes = [1, 512, 1], strides = [1, 1, 1]} : vector<2x512x1xf32> to vector<1x512x1xf32>
    %squeeze3A = vector.shape_cast %slice3A : vector<1x512x1xf32> to vector<512x1xf32>
    %slice3A_7 = vector.extract_strided_slice %get3A_6 {offsets = [1, 0, 0], sizes = [1, 512, 1], strides = [1, 1, 1]} : vector<2x512x1xf32> to vector<1x512x1xf32>
    %squeeze3A_8 = vector.shape_cast %slice3A_7 : vector<1x512x1xf32> to vector<512x1xf32>
    %add3A = arith.addf %squeeze3A, %squeeze3A_8 : vector<512x1xf32>
    %max3A = arith.constant 1.000000e+00 : f32
    %max3A_9 = vector.broadcast %max3A : f32 to vector<512x1xf32>
    %max3A_10 = arith.maximumf %add3A, %max3A_9 : vector<512x1xf32>
    %div3A = arith.constant 1.000000e+00 : f32
    %div3A_11 = vector.broadcast %div3A : f32 to vector<512x1xf32>
    %div3A_12 = arith.divf %div3A_11, %max3A_10 : vector<512x1xf32>
    %slice3A_13 = vector.extract_strided_slice %get3A_2 {offsets = [0, 0, 0], sizes = [1, 512, 128], strides = [1, 1, 1]} : vector<2x512x128xf32> to vector<1x512x128xf32>
    %squeeze3A_14 = vector.shape_cast %slice3A_13 : vector<1x512x128xf32> to vector<512x128xf32>
    %slice3A_15 = vector.extract_strided_slice %get3A_2 {offsets = [1, 0, 0], sizes = [1, 512, 128], strides = [1, 1, 1]} : vector<2x512x128xf32> to vector<1x512x128xf32>
    %squeeze3A_16 = vector.shape_cast %slice3A_15 : vector<1x512x128xf32> to vector<512x128xf32>
    %add3A_17 = arith.addf %squeeze3A_14, %squeeze3A_16 : vector<512x128xf32>
    %mul3A = vector.broadcast %div3A_12 : vector<512x1xf32> to vector<512x128xf32>
    %mul3A_18 = arith.mulf %add3A_17, %mul3A : vector<512x128xf32>
    %get3A_19 = arith.constant 0 : index
    %get3A_20 = arith.constant 0 : index
    %get3A_21 = vector.load %arg3[%get3A_19, %get3A_20] : memref<512x128xf32, #tpu.memory_space<vmem>>, vector<512x128xf32>
    %add3A_22 = arith.addf %mul3A_18, %get3A_21 : vector<512x128xf32>
    %reduce_max3A = arith.constant dense<0xFF800000> : vector<512xf32>
    %reduce_max3A_23 = vector.multi_reduction <maximumf>, %add3A_22, %reduce_max3A [1] : vector<512x128xf32> to vector<512xf32>
    %broadcast_in_dim3A = vector.shape_cast %reduce_max3A_23 : vector<512xf32> to vector<512x1xf32>
    %sub3A = vector.broadcast %broadcast_in_dim3A : vector<512x1xf32> to vector<512x128xf32>
    %sub3A_24 = arith.subf %add3A_22, %sub3A : vector<512x128xf32>
    %exp3A = math.exp %sub3A_24 : vector<512x128xf32>
    %reduce_sum3A = arith.constant dense<0.000000e+00> : vector<512xf32>
    %reduce_sum3A_25 = vector.multi_reduction <add>, %exp3A, %reduce_sum3A [1] : vector<512x128xf32> to vector<512xf32>
    %broadcast_in_dim3A_26 = vector.shape_cast %reduce_sum3A_25 : vector<512xf32> to vector<512x1xf32>
    %log3A = math.log %broadcast_in_dim3A_26 : vector<512x1xf32>
    %sub3A_27 = vector.broadcast %broadcast_in_dim3A : vector<512x1xf32> to vector<512x128xf32>
    %sub3A_28 = arith.subf %add3A_22, %sub3A_27 : vector<512x128xf32>
    %sub3A_29 = vector.broadcast %log3A : vector<512x1xf32> to vector<512x128xf32>
    %sub3A_30 = arith.subf %sub3A_28, %sub3A_29 : vector<512x128xf32>
    %swap3A = arith.constant 0 : index
    %swap3A_31 = arith.constant 0 : index
    %swap3A_32 = vector.load %arg4[%swap3A, %swap3A_31] : memref<512x128xf32, #tpu.memory_space<vmem>>, vector<512x128xf32>
    tpu.vector_store %arg4[%swap3A, %swap3A_31], %sub3A_30 {strides = array<i32>} : memref<512x128xf32, #tpu.memory_space<vmem>>, vector<512x128xf32>,
    return
  }
  func.func @transform_0(%arg0: i32) -> (i32, i32, i32) {
    %c0_i32 = arith.constant 0 : i32
    %c0_i32_0 = arith.constant 0 : i32
    %c0_i32_1 = arith.constant 0 : i32
    return %c0_i32, %arg0, %c0_i32_0 : i32, i32, i32
  }
  func.func @transform_1(%arg0: i32) -> (i32, i32, i32) {
    %c0_i32 = arith.constant 0 : i32
    %c0_i32_0 = arith.constant 0 : i32
    %c0_i32_1 = arith.constant 0 : i32
    return %c0_i32, %arg0, %c0_i32_0 : i32, i32, i32
  }
  func.func @transform_2(%arg0: i32) -> (i32, i32) {
    %c0_i32 = arith.constant 0 : i32
    %c0_i32_0 = arith.constant 0 : i32
    return %arg0, %c0_i32 : i32, i32
  }
  func.func @transform_3(%arg0: i32) -> (i32, i32) {
    %c0_i32 = arith.constant 0 : i32
    %c0_i32_0 = arith.constant 0 : i32
    return %arg0, %c0_i32 : i32, i32
  }
}

</mosaic_0001>

<sc_bundles>
// kernel: kernel.10.cloned.1.call-start
scs
__scs_entry_jumppad:
0x0: {  	(pc) =	sbr.rel $0x88, $3  }
0x1: {  	(tag) =	ssettag $0x0;
	lr =	simm.s32 $0x1  }
0x2: {  	[smem:$0x3F99] =	sst lr;
	_ =	strace $0xD0000000  }
0x3: {  	_ = 	snop  }
0x4: {  	_ = 	snop  }
0x5: {  	_ = 	snop  }
0x6: {  	_ = 	snop  }
0x7: {  	_ = 	snop  }
__scs_overlays_trampoline_lowered:
0x8: {  	[smem:$0x3FA8] =	sst s0  }
0x9: {  	[smem:$0x3FA9] =	sst s1  }
0xa: {  	[smem:$0x3FAA] =	sst s2  }
0xb: {  	[smem:$0x3FAB] =	sst s3  }
0xc: {  	[smem:$0x3FAC] =	sst s4  }
0xd: {  	[smem:$0x3FAD] =	sst s5  }
0xe: {  	[smem:$0x3FAE] =	sst s6  }
0xf: {  	[smem:$0x3FAF] =	sst s7  }
0x10: {  	[smem:$0x3FB0] =	sst s8  }
0x11: {  	[smem:$0x3FB1] =	sst s9;
	s0 =	simm.s32 @!p0 $0x0  }
0x12: {  	s1 =	sld [smem:$0x3F97];
	s0 =	simm.s32 @p0 $0x1  }
0x13: {  	[smem:$0x3FB2] =	sst s0;
	s0 =	simm.s32 @!p1 $0x0  }
0x14: {  	s2 =	sld [smem:$0x3F96];
	s0 =	simm.s32 @p1 $0x1  }
0x15: {  	[smem:$0x3FB3] =	sst s0;
	s0 =	simm.s32 @!p2 $0x0  }
0x16: {  	s3 =	sld [smem:$0x3FDB];
	s0 =	simm.s32 @p2 $0x1  }
0x17: {  	s4 =	simm.s32 $0x1BF5;
	[smem:$0x3FB5] =	sst s0  }
0x18: {  	s0 =	sld [smem:$0x3F98];
	_ =	swait.ge [sflag:s4], $0x0  }
0x19: {  	s7 =	sld [smem:$0x3F99]  }
0x1a: {  	s8 =	sadd.s32 $0xFFFFE003, lr  }
0x1b: {  	s9 =	sadd.s32 $0xFFFFFEF7, lr;
	s5 =	simm.s32 $0xFFFFFFFF;
	p2 =	slt.u32 s8, $0xFFFFF086  }
0x1c: {  	p1 =	slt.u32 s9, $0xF7A;
	s5 =	simm.s32 @!p2 $0x0  }
0x1d: {  	s5 =	simm.s32 @p1 $0x1;
	p0 =	seq.s32 s7, s2  }
0x1e: {  	s7 =	smul.u32 @!p0 $0xF7A, s2;
	p2 =	seq.s32 @!p0 s5, $0x0  }
0x1f: {  	s9 =	smul.u32 $0xF7A, s1;
	s8 =	simm.s32 @!p0 $0x1BF5;
	p2 =	por !p2, p0  }
0x20: {  	[sflag:s8] =	ssyncset.s32 @!p0 $0xFFFFF086;
	s6 =	sadd.s32 @!p0 s3, s7;
	s7 =	simm.s32 @!p0 $0x108  }
0x21: {  	s3 =	sadd.s32 s3, s9;
	s6 =	sadd.s32 @!p0 $0x88, s6;
	s7 =	simm.s32 @p2 $0x1082  }
0x22: {  	[simem:s7], [sflag:s8] =	dma.local @!p0 [hbm:s6], $0xF7A  }
0x23: {  	s9 =	sor.u32 $0xD0000000, s2;
	s6 =	simm.s32 $0x108;
	_ =	swait.ge @!p0 [sflag:s8], $0x0  }
0x24: {  	s3 =	sadd.s32 $0x88, s3;
	s6 =	simm.s32 @!p1 $0x1082;
	[sflag:s4] =	ssyncset.s32 $0xFFFFF086  }
0x25: {  	[simem:s6], [sflag:s4] =	dma.local [hbm:s3], $0xF7A  }
0x26: {  	[smem:$0x3F99] =	sst s1;
	(tag) =	ssettag s2;
	_ =	strace s9  }
0x27: {  	s1 =	sld [smem:$0x3FA9]  }
0x28: {  	s2 =	sld [smem:$0x3FAA]  }
0x29: {  	s4 =	sld [smem:$0x3FAC]  }
0x2a: {  	p0 =	seq.s32 s5, $0x0;
	s5 =	sld [smem:$0x3FAD]  }
0x2b: {  	s6 =	sld [smem:$0x3FAE]  }
0x2c: {  	s7 =	sld [smem:$0x3FAF]  }
0x2d: {  	s3 =	simm.s32 $0x108;
	s8 =	sld [smem:$0x3FB0]  }
0x2e: {  	s3 =	simm.s32 @!p0 $0x1082;
	s9 =	sld [smem:$0x3FB1]  }
0x2f: {  	lr =	sadd.s32 s0, s3;
	s0 =	sld [smem:$0x3FA8]  }
0x30: {  	s3 =	sld [smem:$0x3FAB]  }
0x31: {  	[smem:$0x3FB4] =	sst s10  }
0x32: {  	s10 =	sld [smem:$0x3FB2];
	_ =	sdelay $0x3  }
0x33: {  	p0 =	seq.s32 s10, $0x1;
	s10 =	sld [smem:$0x3FB4];
	_ =	sdelay $0x3  }
0x34: {  	[smem:$0x3FB4] =	sst s10  }
0x35: {  	s10 =	sld [smem:$0x3FB3];
	_ =	sdelay $0x3  }
0x36: {  	p1 =	seq.s32 s10, $0x1;
	s10 =	sld [smem:$0x3FB4];
	_ =	sdelay $0x3  }
0x37: {  	[smem:$0x3FB4] =	sst s10  }
0x38: {  	s10 =	sld [smem:$0x3FB5]  }
0x39: {  	_ = 	snop;
	(pc) =	sbr.ind lr, $3  }
0x3a: {  	_ = 	snop  }
0x3b: {  	_ = 	snop  }
0x3c: {  	p2 =	seq.s32 s10, $0x1;
	s10 =	sld [smem:$0x3FB4]  }
0x3d: {  	_ =	shalt  }
0x3e: {  	_ =	shalt  }
0x3f: {  	_ =	shalt  }
0x40: {  	_ =	shalt  }
0x41: {  	_ =	shalt  }
0x42: {  	_ =	shalt  }
0x43: {  	_ =	shalt  }
0x44: {  	_ =	shalt  }
0x45: {  	_ =	shalt  }
0x46: {  	_ =	shalt  }
0x47: {  	_ =	shalt  }
0x48: {  	_ =	shalt  }
0x49: {  	_ =	shalt  }
0x4a: {  	_ =	shalt  }
0x4b: {  	_ =	shalt  }
0x4c: {  	_ =	shalt  }
0x4d: {  	_ =	shalt  }
0x4e: {  	_ =	shalt  }
0x4f: {  	_ =	shalt  }
0x50: {  	_ =	shalt  }
0x51: {  	_ =	shalt  }
0x52: {  	_ =	shalt  }
0x53: {  	_ =	shalt  }
0x54: {  	_ =	shalt  }
0x55: {  	_ =	shalt  }
0x56: {  	_ =	shalt  }
0x57: {  	_ =	shalt  }
0x58: {  	_ =	shalt  }
0x59: {  	_ =	shalt  }
0x5a: {  	_ =	shalt  }
0x5b: {  	_ =	shalt  }
0x5c: {  	_ =	shalt  }
0x5d: {  	_ =	shalt  }
0x5e: {  	_ =	shalt  }
0x5f: {  	_ =	shalt  }
0x60: {  	_ =	shalt  }
0x61: {  	_ =	shalt  }
0x62: {  	_ =	shalt  }
0x63: {  	_ =	shalt  }
0x64: {  	_ =	shalt  }
0x65: {  	_ =	shalt  }
0x66: {  	_ =	shalt  }
0x67: {  	_ =	shalt  }
0x68: {  	_ =	shalt  }
0x69: {  	_ =	shalt  }
0x6a: {  	_ =	shalt  }
0x6b: {  	_ =	shalt  }
0x6c: {  	_ =	shalt  }
0x6d: {  	_ =	shalt  }
0x6e: {  	_ =	shalt  }
0x6f: {  	_ =	shalt  }
0x70: {  	_ =	shalt  }
0x71: {  	_ =	shalt  }
0x72: {  	_ =	shalt  }
0x73: {  	_ =	shalt  }
0x74: {  	_ =	shalt  }
0x75: {  	_ =	shalt  }
0x76: {  	_ =	shalt  }
0x77: {  	_ =	shalt  }
0x78: {  	_ =	shalt  }
0x79: {  	_ =	shalt  }
0x7a: {  	_ =	shalt  }
0x7b: {  	_ =	shalt  }
0x7c: {  	_ =	shalt  }
0x7d: {  	_ =	shalt  }
0x7e: {  	_ =	shalt  }
0x7f: {  	_ =	shalt  }
0x80: {  	_ =	shalt  }
0x81: {  	_ =	shalt  }
0x82: {  	_ =	shalt  }
0x83: {  	_ =	shalt  }
0x84: {  	_ =	shalt  }
0x85: {  	_ =	shalt  }
0x86: {  	_ =	shalt  }
0x87: {  	_ =	shalt  }
.Lfunc_end0:
.L_simem_size_0:
called_computation.1_lowered:
.L_overlay_start_0:
0x88: {  	s2 =	sld [smem:$0x3FD9]  }
0x89: {  	s3 =	sld [smem:$0x3FFE];
	_ =	sdelay $0x1  }
0x8a: {  	s1 =	srdreg.scid  }
0x8b: {  	s0 =	sand.u32 $0x1, s1  }
0x8c: {  	s17 =	sshll.u32 s0, $0xA;
	s2 =	sadd.s32 s3, s2  }
0x8d: {  	s2 =	sadd.s32 s2, s17  }
0x8e: {  	[smem:$0x3FC0] =	sst s2  }
0x8f: {  	_ = 	snop  }
0x90: {  	s2 =	sld [smem:$0x3FD0];
	(tm) =	ssettm $0x1  }
0x91: {  	s18 =	sld [smem:$0x3FFB];
	_ =	sdelay $0x3  }
0x92: {  	_ =	strace s18  }
0x93: {  	s3 =	sld [smem:$0x3FFC];
	_ =	sdelay $0x3  }
0x94: {  	_ =	strace s3  }
0x95: {  	s3 =	sld [smem:$0x3FFD];
	_ =	sdelay $0x3  }
0x96: {  	_ =	strace s3  }
0x97: {  	_ =	strace $0x8FFFFFFF  }
0x98: {  	s19 =	sld [smem:$0x3FDB];
	_ =	sdelay $0x1  }
0x99: {  	s4 =	simm.s32 $_scs_section_size  }
0x9a: {  	s5 =	simm.s32 $_size__tile_overlayer_lowered;
	s6 =	simm.s32 $_tile_overlayer_lowered  }
0x9b: {  	s22 =	simm.s32 $0x1BFF;
	s21 =	sshll.u32 s6, $0x1;
	s3 =	sadd.s32 s4, s19  }
0x9c: {  	s7 =	simm.s32 $0x0;
	s20 =	sshll.u32 s5, $0x1;
	s5 =	sadd.s32 s21, s3  }
0x9d: {  	[timem:s7], [sflag:s22] =	dma.local [hbm:s5], s20  }
0x9e: {  	_ =	swait.ge [sflag:s22], s20  }
0x9f: {  	s4 =	ssub.s32 $0x0, s20;
	[sflag:s22] =	ssyncset.done $0x0  }
0xa0: {  	[sflag:s22] =	ssyncadd.s32 s4;
	_ =	sdelay $0x1  }
0xa1: {  	s23 =	simm.s32 $0x1B8B  }
0xa2: {  	_ =	swait.ge [sflag:s23], $0x1  }
0xa3: {  	[sflag:s23] =	ssyncset.done $0x0  }
0xa4: {  	s25 =	simm.s32 $0x1B8E;
	s24 =	sld [smem:$0x3FFE];
	[sflag:s23] =	ssyncadd.s32 $0xFFFFFFFF  }
0xa5: {  	s26 =	simm.s32 $execute0_lowered;
	[smem:$0x3FD2] =	sst s25  }
0xa6: {  	s5 =	sshll.u32 s26, $0x1;
	_ =	strace $0x80000049;
	[dreg:$0x1] =	wrdreg $0xFFFFFFFF  }
0xa7: {  	s28 =	simm.s32 $_size_execute0_lowered;
	s3 =	sadd.s32 s3, s5;
	[dreg:$0x0] =	wrdreg $0x0  }
0xa8: {  	s5 =	sshll.u32 s28, $0x1;
	[dreg:$0x2] =	wrdreg s3  }
0xa9: {  	[dreg:$0x3] =	wrdreg s5  }
0xaa: {  	[dreg:$0x4] =	wrdreg $0xC0  }
0xab: {  	_ =	task [dreg:s7], $0x5FFFF  }
0xac: {  	[dreg:$0x1] =	wrdreg $0xFFFFFFFF  }
0xad: {  	[dreg:$0x0] =	wrdreg $0x60  }
0xae: {  	[dreg:$0x2] =	wrdreg s24  }
0xaf: {  	[dreg:$0x3] =	wrdreg s2  }
0xb0: {  	[dreg:$0x4] =	wrdreg $0x88000  }
0xb1: {  	[dreg:$0x5] =	wrdreg $0x9  }
0xb2: {  	_ =	task.clear_ibuf [dreg:s7], $0x6FFFF;
	_ =	strace $0x90000049  }
0xb3: {  	s29 =	simm.s32 $0x9;
	_ =	strace $0x8000004B  }
0xb4: {  	_ =	swait.ge [sflag:s29], $0x1  }
0xb5: {  	[sflag:s29] =	ssyncadd.s32 $0xFFFFFFFF  }
0xb6: {  	_ =	strace $0x9000004B  }
0xb7: {  	_ =	sfence  }
0xb8: {  	s30 =	sld [smem:$0x0];
	_ =	sdelay $0x2  }
0xb9: {  	s31 =	sshll.u32 s1, $0xD;
	s1 =	sshrl.u32 s1, $0x2  }
0xba: {  	s3 =	sand.u32 $0x4000, s31;
	s1 =	sadd.s32 s1, s30  }
0xbb: {  	s0 =	sor.u32 s3, s0;
	s1 =	sshll.u32 s1, $0x11  }
0xbc: {  	s0 =	sor.u32 s1, s0  }
0xbd: {  	s0 =	sadd.s32 $0x8F2B, s0  }
0xbe: {  	[sflag:s0] =	ssyncadd.remote.s32 $0x1  }
0xbf: {  	_ =	sfence.sel $0xFFFF  }
0xc0: {  	[dreg:$0x0] =	wrdreg $0xFFFFFFFF;
	(pc) =	sbr.abs _section_cstart, $3  }
0xc1: {  	[dreg:$0x1] =	wrdreg $0xFFFFFFFF  }
0xc2: {  	_ =	task.clear_ibuf [dreg:s7], $0x2FFFF;
	_ =	strace $0x9FFFFFFF  }
0xc3: {  	(tm) =	ssettm $0x7FFFFFFF  }
tec
execute0_lowered:
.L_overlay_start_1:
0x0: {  	(tag) =	ssettag $0x1  }
0x1: {  	s0 =	rddreg [dreg:$0x0]  }
0x2: {  	s1 =	srdreg.scid;
	s6 =	rddreg [dreg:$0x1]  }
0x3: {  	s9 =	stileid.u32;
	s2 =	rddreg [dreg:$0x2]  }
0x4: {  	s3 =	simm.s32 $0x0;
	s14 =	simm.s32 $0x800;
	s15 =	simm.s32 $0x3  }
0x5: {  	s16 =	simm.s32 $0x400;
	s17 =	simm.s32 $0x80;
	s5 =	smul.u32 $0x2800, s9  }
0x6: {  	s18 =	simm.s32 $0x4800;
	s19 =	simm.s32 $0x1;
	s20 =	smul.u32 $0x14000, s9  }
0x7: {  	s28 =	simm.s32 $0x280;
	s1 =	sand.u32 $0x1, s1;
	s9 =	smul.u32 $0x50000, s9  }
0x8: {  	s29 =	simm.s32 $0x600;
	s30 =	simm.s32 $0x680;
	s4 =	smul.u32 $0x28000, s1  }
0x9: {  	s31 =	simm.s32 $0x300;
	[smem:$0x7FF] =	sst s3;
	s7 =	smul.u32 $0x140000, s1  }
0xa: {  	_ =	strace $0x8000004A;
	s1 =	ssub.s32 $0x2, s1;
	s21 =	sshrl.u32 s9, $0x2  }
0xb: {  	s22 =	sshrl.u32 s1, $0x1;
	s4 =	sadd.s32 s5, s4;
	s5 =	sadd.s32 s20, s7  }
0xc: {  	s23 =	sadd.s32 s21, s2;
	s1 =	ssub.s32 s1, s22;
	s20 =	simm.s32 $0x2  }
0xd: {  	s21 =	simm.s32 $0x480;
	s22 =	simm.s32 $0x100;
	s8 =	sshrl.u32 s4, $0x3  }
0xe: {  	s4 =	sadd.s32 $0xBC00, s0;
	s7 =	sadd.s32 $0x4000, s23;
	[dreg:$0x4] =	wrdreg s23  }
0xf: {  	s5 =	sshrl.u32 s5, $0x3;
	s24 =	sadd.s32 $0x8000, s23;
	[dreg:$0x5] =	wrdreg s7  }
0x10: {  	s25 =	sadd.s32 $0xC000, s23;
	s26 =	smax.u32 s1, $0x1;
	[dreg:$0x6] =	wrdreg s24  }
0x11: {  	s1 =	simm.s32 $0x380;
	s10 =	sadd.s32 s8, s0;
	[dreg:$0x7] =	wrdreg s25  }
0x12: {  	s0 =	sadd.s32 s5, s0;
	s5 =	sadd.s32 $0x10000, s23;
	[dreg:$0xa] =	wrdreg s26  }
0x13: {  	s13 =	sadd.s32 s8, s6;
	s23 =	simm.s32 $0x180;
	s24 =	simm.s32 $0x500  }
0x14: {  	s25 =	simm.s32 $0x580;
	s26 =	simm.s32 $0x200;
	s6 =	simm.s32 $0x780  }
0x15: {  	s7 =	simm.s32 $0x0;
	[dreg:$0x8] =	wrdreg s5;
	s0 =	sadd.s32 $0x33C00, s0  }
0x16: {  	v0 =	vimm.f32 $0.0e+00;
	s12 =	sadd.s32 $0x1C00, s10;
	[dreg:$0x9] =	wrdreg s0;
	s0 =	simm.s32 $0x700  }
.LBB2_1:
0x17: {  	s8 =	sand.u32 $0xFE00, s3  }
0x18: {  	s9 =	sand.u32 $0x70, s3;
	s10 =	sshrl.u32 s8, $0x2  }
0x19: {  	s8 =	simm.s32 $0x40;
	s10 =	sor.u32 s9, s10;
	s9 =	simm.s32 $0x0  }
.LBB2_2:
0x1a: {  	p0 =	sne.s32 s8, $0xFFC0  }
0x1b: {  	[tilespmem:s10+$0x800] =	vst v0;
	s9 =	sadd.s32 $0x10, s9;
	s10 =	smov.u32 s8;
	s8 =	sadd.s32 $0x40, s8  }
.Ltmp0:
0x1c: {  	(pc) =	sbr.rel @p0 .LBB2_2-.Ltmp0, $4  }
0x1d: {  	_ = 	snop  }
0x1e: {  	s10 =	sand.u32 $0xFE00, s10  }
0x1f: {  	s11 =	sand.u32 $0x70, s9;
	s10 =	sshrl.u32 s10, $0x2  }
0x20: {  	s10 =	sor.u32 s11, s10  }
0x21: {  	[tilespmem:s10+$0x800] =	vst v0;
	s5 =	rddreg [dreg:$0x4]  }
0x22: {  	[spmem:s5] =	stream.linear.scatter [tilespmem:s14], [sflag:$0x3], $0x4000, $0x38;
	[tilespmem:$0x1C800] =	vst v63  }
0x23: {  	_ =	swait.ge [sflag:s15], $0x4000  }
0x24: {  	[sflag:s15] =	ssyncset.done $0x0  }
0x25: {  	s11 =	rddreg [dreg:$0x5];
	[sflag:s15] =	ssyncadd.s32 $0xFFFFC000  }
0x26: {  	[spmem:s11] =	stream.linear.scatter [tilespmem:s14], [sflag:$0x3], $0x4000, $0x38;
	[tilespmem:$0x1C800] =	vst v63  }
0x27: {  	_ =	swait.ge [sflag:s15], $0x4000  }
0x28: {  	[sflag:s15] =	ssyncset.done $0x0  }
0x29: {  	s8 =	rddreg [dreg:$0x6];
	[sflag:s15] =	ssyncadd.s32 $0xFFFFC000  }
0x2a: {  	[spmem:s8] =	stream.linear.scatter [tilespmem:s14], [sflag:$0x3], $0x4000, $0x38;
	[tilespmem:$0x1C800] =	vst v63  }
0x2b: {  	_ =	swait.ge [sflag:s15], $0x4000  }
0x2c: {  	[sflag:s15] =	ssyncset.done $0x0  }
0x2d: {  	s9 =	rddreg [dreg:$0x7];
	[sflag:s15] =	ssyncadd.s32 $0xFFFFC000  }
0x2e: {  	[spmem:s9] =	stream.linear.scatter [tilespmem:s14], [sflag:$0x3], $0x4000, $0x38;
	[tilespmem:$0x1C800] =	vst v63  }
0x2f: {  	_ =	swait.ge [sflag:s15], $0x4000  }
0x30: {  	[sflag:s15] =	ssyncset.done $0x0  }
0x31: {  	s10 =	rddreg [dreg:$0x8];
	[sflag:s15] =	ssyncadd.s32 $0xFFFFC000  }
0x32: {  	[spmem:s10] =	stream.linear.scatter [tilespmem:s14], [sflag:$0x3], $0x4000, $0x38;
	[tilespmem:$0x1C800] =	vst v63  }
0x33: {  	_ =	swait.ge [sflag:s15], $0x4000  }
0x34: {  	[sflag:s15] =	ssyncset.done $0x0  }
0x35: {  	[sflag:s15] =	ssyncadd.s32 $0xFFFFC000  }
0x36: {  	s8 =	sadd.s32 $0x0, s13;
	[bflag:$0x0] =	sbarrier.arrive $0xFFFF  }
0x37: {  	[tilespmem:s3], [sflag:$0x3] =	stream.linear.gather [hbm4b:s8+s3], $0x400, $0x38;
	[tilespmem:$0x1C800] =	vst v63  }
0x38: {  	_ =	swait.ge [sflag:s15], $0x400  }
0x39: {  	[sflag:s15] =	ssyncset.done $0x0  }
0x3a: {  	s11 =	sadd.s32 $0x0, s12;
	[sflag:s15] =	ssyncadd.s32 $0xFFFFFC00  }
0x3b: {  	[tilespmem:s16], [sflag:$0x3] =	stream.linear.gather [hbm4b:s11+s3], $0x400, $0x38;
	[tilespmem:$0x1C800] =	vst v63  }
0x3c: {  	_ =	swait.ge [sflag:s15], $0x400  }
0x3d: {  	[sflag:s15] =	ssyncset.done $0x0  }
0x3e: {  	[sflag:s15] =	ssyncadd.s32 $0xFFFFFC00  }
0x3f: {  	[tilespmem:s14], [sflag:$0x1] =	stream.indirect.gather [hbm4b:s4+s17], $0x80, s3, s17, $0xb8;
	[tilespmem:$0x1C800] =	vst v63  }
0x40: {  	_ = 	snop  }
0x41: {  	[tilespmem:s18], [sflag:$0x2] =	stream.indirect.gather [hbm4b:s4+s17], $0x80, s17, s17, $0xb8;
	[tilespmem:$0x1C800] =	vst v63  }
0x42: {  	_ =	swait.ge [sflag:s19], $0x4000  }
0x43: {  	[sflag:s19] =	ssyncset.done $0x0  }
0x44: {  	[sflag:s19] =	ssyncadd.s32 $0xFFFFC000  }
0x45: {  	[spmem:s2] =	stream.indirect.scatter.add.f32 [tilespmem:s14], [sflag:$0x3], $0x80, s16, s17, $0xb8;
	[tilespmem:$0x1C800] =	vst v63  }
0x46: {  	_ =	swait.ge [sflag:s15], $0x4000  }
0x47: {  	[sflag:s15] =	ssyncset.done $0x0  }
0x48: {  	[sflag:s15] =	ssyncadd.s32 $0xFFFFC000  }
0x49: {  	_ =	swait.ge [sflag:s20], $0x4000  }
0x4a: {  	[sflag:s20] =	ssyncset.done $0x0  }
0x4b: {  	[sflag:s20] =	ssyncadd.s32 $0xFFFFC000  }
0x4c: {  	[spmem:s2] =	stream.indirect.scatter.add.f32 [tilespmem:s18], [sflag:$0x3], $0x80, s21, s17, $0xb8;
	[tilespmem:$0x1C800] =	vst v63  }
0x4d: {  	_ =	swait.ge [sflag:s15], $0x4000  }
0x4e: {  	[sflag:s15] =	ssyncset.done $0x0  }
0x4f: {  	[sflag:s15] =	ssyncadd.s32 $0xFFFFC000  }
0x50: {  	[tilespmem:s14], [sflag:$0x1] =	stream.indirect.gather [hbm4b:s4+s17], $0x80, s22, s17, $0xb8;
	[tilespmem:$0x1C800] =	vst v63  }
0x51: {  	_ = 	snop  }
0x52: {  	[tilespmem:s18], [sflag:$0x2] =	stream.indirect.gather [hbm4b:s4+s17], $0x80, s23, s17, $0xb8;
	[tilespmem:$0x1C800] =	vst v63  }
0x53: {  	_ =	swait.ge [sflag:s19], $0x4000  }
0x54: {  	[sflag:s19] =	ssyncset.done $0x0  }
0x55: {  	[sflag:s19] =	ssyncadd.s32 $0xFFFFC000  }
0x56: {  	[spmem:s2] =	stream.indirect.scatter.add.f32 [tilespmem:s14], [sflag:$0x3], $0x80, s24, s17, $0xb8;
	[tilespmem:$0x1C800] =	vst v63  }
0x57: {  	_ =	swait.ge [sflag:s15], $0x4000  }
0x58: {  	[sflag:s15] =	ssyncset.done $0x0  }
0x59: {  	[sflag:s15] =	ssyncadd.s32 $0xFFFFC000  }
0x5a: {  	_ =	swait.ge [sflag:s20], $0x4000  }
0x5b: {  	[sflag:s20] =	ssyncset.done $0x0  }
0x5c: {  	[sflag:s20] =	ssyncadd.s32 $0xFFFFC000  }
0x5d: {  	[spmem:s2] =	stream.indirect.scatter.add.f32 [tilespmem:s18], [sflag:$0x3], $0x80, s25, s17, $0xb8;
	[tilespmem:$0x1C800] =	vst v63  }
0x5e: {  	_ =	swait.ge [sflag:s15], $0x4000  }
0x5f: {  	[sflag:s15] =	ssyncset.done $0x0  }
0x60: {  	[sflag:s15] =	ssyncadd.s32 $0xFFFFC000  }
0x61: {  	[tilespmem:s14], [sflag:$0x1] =	stream.indirect.gather [hbm4b:s4+s17], $0x80, s26, s17, $0xb8;
	[tilespmem:$0x1C800] =	vst v63  }
0x62: {  	_ = 	snop  }
0x63: {  	[tilespmem:s18], [sflag:$0x2] =	stream.indirect.gather [hbm4b:s4+s17], $0x80, s28, s17, $0xb8;
	[tilespmem:$0x1C800] =	vst v63  }
0x64: {  	_ =	swait.ge [sflag:s19], $0x4000  }
0x65: {  	[sflag:s19] =	ssyncset.done $0x0  }
0x66: {  	[sflag:s19] =	ssyncadd.s32 $0xFFFFC000  }
0x67: {  	[spmem:s2] =	stream.indirect.scatter.add.f32 [tilespmem:s14], [sflag:$0x3], $0x80, s29, s17, $0xb8;
	[tilespmem:$0x1C800] =	vst v63  }
0x68: {  	_ =	swait.ge [sflag:s15], $0x4000  }
0x69: {  	[sflag:s15] =	ssyncset.done $0x0  }
0x6a: {  	[sflag:s15] =	ssyncadd.s32 $0xFFFFC000  }
0x6b: {  	_ =	swait.ge [sflag:s20], $0x4000  }
0x6c: {  	[sflag:s20] =	ssyncset.done $0x0  }
0x6d: {  	[sflag:s20] =	ssyncadd.s32 $0xFFFFC000  }
0x6e: {  	[spmem:s2] =	stream.indirect.scatter.add.f32 [tilespmem:s18], [sflag:$0x3], $0x80, s30, s17, $0xb8;
	[tilespmem:$0x1C800] =	vst v63  }
0x6f: {  	_ =	swait.ge [sflag:s15], $0x4000  }
0x70: {  	[sflag:s15] =	ssyncset.done $0x0  }
0x71: {  	[sflag:s15] =	ssyncadd.s32 $0xFFFFC000  }
0x72: {  	[tilespmem:s14], [sflag:$0x1] =	stream.indirect.gather [hbm4b:s4+s17], $0x80, s31, s17, $0xb8;
	[tilespmem:$0x1C800] =	vst v63  }
0x73: {  	_ = 	snop  }
0x74: {  	[tilespmem:s18], [sflag:$0x2] =	stream.indirect.gather [hbm4b:s4+s17], $0x80, s1, s17, $0xb8;
	[tilespmem:$0x1C800] =	vst v63  }
0x75: {  	_ =	swait.ge [sflag:s19], $0x4000  }
0x76: {  	[sflag:s19] =	ssyncset.done $0x0  }
0x77: {  	[sflag:s19] =	ssyncadd.s32 $0xFFFFC000  }
0x78: {  	[spmem:s2] =	stream.indirect.scatter.add.f32 [tilespmem:s14], [sflag:$0x3], $0x80, s0, s17, $0xb8;
	[tilespmem:$0x1C800] =	vst v63  }
0x79: {  	_ =	swait.ge [sflag:s15], $0x4000  }
0x7a: {  	[sflag:s15] =	ssyncset.done $0x0  }
0x7b: {  	[sflag:s15] =	ssyncadd.s32 $0xFFFFC000  }
0x7c: {  	_ =	swait.ge [sflag:s20], $0x4000  }
0x7d: {  	[sflag:s20] =	ssyncset.done $0x0  }
0x7e: {  	[sflag:s20] =	ssyncadd.s32 $0xFFFFC000  }
0x7f: {  	[spmem:s2] =	stream.indirect.scatter.add.f32 [tilespmem:s18], [sflag:$0x3], $0x80, s6, s17, $0xb8;
	[tilespmem:$0x1C800] =	vst v63  }
0x80: {  	_ =	swait.ge [sflag:s15], $0x4000  }
0x81: {  	s9 =	simm.s32 $0x100;
	s8 =	simm.s32 $0x80;
	[sflag:s15] =	ssyncset.done $0x0  }
.LBB2_4:
0x82: {  	s11 =	sadd.s32 s8, s13  }
0x83: {  	[sflag:s15] =	ssyncadd.s32 $0xFFFFC000;
	s5 =	smov.u32 s9;
	s10 =	sadd.s32 $0x80, s9  }
0x84: {  	[tilespmem:s3], [sflag:$0x3] =	stream.linear.gather [hbm4b:s11+s3], $0x400, $0x38;
	[tilespmem:$0x1C800] =	vst v63  }
0x85: {  	p0 =	sne.s32 s9, $0x480;
	_ =	swait.ge [sflag:s15], $0x400  }
0x86: {  	[sflag:s15] =	ssyncset.done $0x0  }
0x87: {  	s9 =	sadd.s32 s8, s12;
	s8 =	smov.u32 s5;
	[sflag:s15] =	ssyncadd.s32 $0xFFFFFC00  }
0x88: {  	[tilespmem:s16], [sflag:$0x3] =	stream.linear.gather [hbm4b:s9+s3], $0x400, $0x38;
	[tilespmem:$0x1C800] =	vst v63  }
0x89: {  	_ =	swait.ge [sflag:s15], $0x400  }
0x8a: {  	[sflag:s15] =	ssyncset.done $0x0  }
0x8b: {  	[sflag:s15] =	ssyncadd.s32 $0xFFFFFC00  }
0x8c: {  	[tilespmem:s14], [sflag:$0x1] =	stream.indirect.gather [hbm4b:s4+s17], $0x80, s3, s17, $0xb8;
	[tilespmem:$0x1C800] =	vst v63  }
0x8d: {  	_ = 	snop  }
0x8e: {  	[tilespmem:s18], [sflag:$0x2] =	stream.indirect.gather [hbm4b:s4+s17], $0x80, s17, s17, $0xb8;
	[tilespmem:$0x1C800] =	vst v63  }
0x8f: {  	_ =	swait.ge [sflag:s19], $0x4000  }
0x90: {  	[sflag:s19] =	ssyncset.done $0x0  }
0x91: {  	[sflag:s19] =	ssyncadd.s32 $0xFFFFC000  }
0x92: {  	[spmem:s2] =	stream.indirect.scatter.add.f32 [tilespmem:s14], [sflag:$0x3], $0x80, s16, s17, $0xb8;
	[tilespmem:$0x1C800] =	vst v63  }
0x93: {  	_ =	swait.ge [sflag:s15], $0x4000  }
0x94: {  	[sflag:s15] =	ssyncset.done $0x0  }
0x95: {  	[sflag:s15] =	ssyncadd.s32 $0xFFFFC000  }
0x96: {  	_ =	swait.ge [sflag:s20], $0x4000  }
0x97: {  	[sflag:s20] =	ssyncset.done $0x0  }
0x98: {  	[sflag:s20] =	ssyncadd.s32 $0xFFFFC000  }
0x99: {  	[spmem:s2] =	stream.indirect.scatter.add.f32 [tilespmem:s18], [sflag:$0x3], $0x80, s21, s17, $0xb8;
	[tilespmem:$0x1C800] =	vst v63  }
0x9a: {  	_ =	swait.ge [sflag:s15], $0x4000  }
0x9b: {  	[sflag:s15] =	ssyncset.done $0x0  }
0x9c: {  	[sflag:s15] =	ssyncadd.s32 $0xFFFFC000  }
0x9d: {  	[tilespmem:s14], [sflag:$0x1] =	stream.indirect.gather [hbm4b:s4+s17], $0x80, s22, s17, $0xb8;
	[tilespmem:$0x1C800] =	vst v63  }
0x9e: {  	_ = 	snop  }
0x9f: {  	[tilespmem:s18], [sflag:$0x2] =	stream.indirect.gather [hbm4b:s4+s17], $0x80, s23, s17, $0xb8;
	[tilespmem:$0x1C800] =	vst v63  }
0xa0: {  	_ =	swait.ge [sflag:s19], $0x4000  }
0xa1: {  	[sflag:s19] =	ssyncset.done $0x0  }
0xa2: {  	[sflag:s19] =	ssyncadd.s32 $0xFFFFC000  }
0xa3: {  	[spmem:s2] =	stream.indirect.scatter.add.f32 [tilespmem:s14], [sflag:$0x3], $0x80, s24, s17, $0xb8;
	[tilespmem:$0x1C800] =	vst v63  }
0xa4: {  	_ =	swait.ge [sflag:s15], $0x4000  }
0xa5: {  	[sflag:s15] =	ssyncset.done $0x0  }
0xa6: {  	[sflag:s15] =	ssyncadd.s32 $0xFFFFC000  }
0xa7: {  	_ =	swait.ge [sflag:s20], $0x4000  }
0xa8: {  	[sflag:s20] =	ssyncset.done $0x0  }
0xa9: {  	[sflag:s20] =	ssyncadd.s32 $0xFFFFC000  }
0xaa: {  	[spmem:s2] =	stream.indirect.scatter.add.f32 [tilespmem:s18], [sflag:$0x3], $0x80, s25, s17, $0xb8;
	[tilespmem:$0x1C800] =	vst v63  }
0xab: {  	_ =	swait.ge [sflag:s15], $0x4000  }
0xac: {  	[sflag:s15] =	ssyncset.done $0x0  }
0xad: {  	[sflag:s15] =	ssyncadd.s32 $0xFFFFC000  }
0xae: {  	[tilespmem:s14], [sflag:$0x1] =	stream.indirect.gather [hbm4b:s4+s17], $0x80, s26, s17, $0xb8;
	[tilespmem:$0x1C800] =	vst v63  }
0xaf: {  	_ = 	snop  }
0xb0: {  	[tilespmem:s18], [sflag:$0x2] =	stream.indirect.gather [hbm4b:s4+s17], $0x80, s28, s17, $0xb8;
	[tilespmem:$0x1C800] =	vst v63  }
0xb1: {  	_ =	swait.ge [sflag:s19], $0x4000  }
0xb2: {  	[sflag:s19] =	ssyncset.done $0x0  }
0xb3: {  	[sflag:s19] =	ssyncadd.s32 $0xFFFFC000  }
0xb4: {  	[spmem:s2] =	stream.indirect.scatter.add.f32 [tilespmem:s14], [sflag:$0x3], $0x80, s29, s17, $0xb8;
	[tilespmem:$0x1C800] =	vst v63  }
0xb5: {  	_ =	swait.ge [sflag:s15], $0x4000  }
0xb6: {  	[sflag:s15] =	ssyncset.done $0x0  }
0xb7: {  	[sflag:s15] =	ssyncadd.s32 $0xFFFFC000  }
0xb8: {  	_ =	swait.ge [sflag:s20], $0x4000  }
0xb9: {  	[sflag:s20] =	ssyncset.done $0x0  }
0xba: {  	[sflag:s20] =	ssyncadd.s32 $0xFFFFC000  }
0xbb: {  	[spmem:s2] =	stream.indirect.scatter.add.f32 [tilespmem:s18], [sflag:$0x3], $0x80, s30, s17, $0xb8;
	[tilespmem:$0x1C800] =	vst v63  }
0xbc: {  	_ =	swait.ge [sflag:s15], $0x4000  }
0xbd: {  	[sflag:s15] =	ssyncset.done $0x0  }
0xbe: {  	[sflag:s15] =	ssyncadd.s32 $0xFFFFC000  }
0xbf: {  	[tilespmem:s14], [sflag:$0x1] =	stream.indirect.gather [hbm4b:s4+s17], $0x80, s31, s17, $0xb8;
	[tilespmem:$0x1C800] =	vst v63  }
0xc0: {  	_ = 	snop  }
0xc1: {  	[tilespmem:s18], [sflag:$0x2] =	stream.indirect.gather [hbm4b:s4+s17], $0x80, s1, s17, $0xb8;
	[tilespmem:$0x1C800] =	vst v63  }
0xc2: {  	_ =	swait.ge [sflag:s19], $0x4000  }
0xc3: {  	[sflag:s19] =	ssyncset.done $0x0  }
0xc4: {  	[sflag:s19] =	ssyncadd.s32 $0xFFFFC000  }
0xc5: {  	[spmem:s2] =	stream.indirect.scatter.add.f32 [tilespmem:s14], [sflag:$0x3], $0x80, s0, s17, $0xb8;
	[tilespmem:$0x1C800] =	vst v63  }
0xc6: {  	_ =	swait.ge [sflag:s15], $0x4000  }
0xc7: {  	[sflag:s15] =	ssyncset.done $0x0  }
0xc8: {  	[sflag:s15] =	ssyncadd.s32 $0xFFFFC000  }
0xc9: {  	_ =	swait.ge [sflag:s20], $0x4000  }
.Ltmp1:
0xca: {  	[sflag:s20] =	ssyncset.done $0x0;
	(pc) =	sbr.rel @p0 .LBB2_4-.Ltmp1, $4  }
0xcb: {  	[sflag:s20] =	ssyncadd.s32 $0xFFFFC000  }
0xcc: {  	[spmem:s2] =	stream.indirect.scatter.add.f32 [tilespmem:s18], [sflag:$0x3], $0x80, s6, s17, $0xb8;
	[tilespmem:$0x1C800] =	vst v63  }
0xcd: {  	_ =	swait.ge [sflag:s15], $0x4000  }
0xce: {  	s9 =	smov.u32 s10;
	[sflag:s15] =	ssyncset.done $0x0  }
0xcf: {  	s5 =	sadd.s32 s8, s13;
	[sflag:s15] =	ssyncadd.s32 $0xFFFFC000  }
0xd0: {  	[tilespmem:s3], [sflag:$0x3] =	stream.linear.gather [hbm4b:s5+s3], $0x400, $0x38;
	[tilespmem:$0x1C800] =	vst v63  }
0xd1: {  	_ =	swait.ge [sflag:s15], $0x400  }
0xd2: {  	[sflag:s15] =	ssyncset.done $0x0  }
0xd3: {  	s8 =	sadd.s32 s8, s12;
	[sflag:s15] =	ssyncadd.s32 $0xFFFFFC00  }
0xd4: {  	[tilespmem:s16], [sflag:$0x3] =	stream.linear.gather [hbm4b:s8+s3], $0x400, $0x38;
	[tilespmem:$0x1C800] =	vst v63  }
0xd5: {  	_ =	swait.ge [sflag:s15], $0x400  }
0xd6: {  	[sflag:s15] =	ssyncset.done $0x0  }
0xd7: {  	[sflag:s15] =	ssyncadd.s32 $0xFFFFFC00  }
0xd8: {  	[tilespmem:s14], [sflag:$0x1] =	stream.indirect.gather [hbm4b:s4+s17], $0x80, s3, s17, $0xb8;
	[tilespmem:$0x1C800] =	vst v63  }
0xd9: {  	_ = 	snop  }
0xda: {  	[tilespmem:s18], [sflag:$0x2] =	stream.indirect.gather [hbm4b:s4+s17], $0x80, s17, s17, $0xb8;
	[tilespmem:$0x1C800] =	vst v63  }
0xdb: {  	_ =	swait.ge [sflag:s19], $0x4000  }
0xdc: {  	[sflag:s19] =	ssyncset.done $0x0  }
0xdd: {  	[sflag:s19] =	ssyncadd.s32 $0xFFFFC000  }
0xde: {  	[spmem:s2] =	stream.indirect.scatter.add.f32 [tilespmem:s14], [sflag:$0x3], $0x80, s16, s17, $0xb8;
	[tilespmem:$0x1C800] =	vst v63  }
0xdf: {  	_ =	swait.ge [sflag:s15], $0x4000  }
0xe0: {  	[sflag:s15] =	ssyncset.done $0x0  }
0xe1: {  	[sflag:s15] =	ssyncadd.s32 $0xFFFFC000  }
0xe2: {  	_ =	swait.ge [sflag:s20], $0x4000  }
0xe3: {  	[sflag:s20] =	ssyncset.done $0x0  }
0xe4: {  	[sflag:s20] =	ssyncadd.s32 $0xFFFFC000  }
0xe5: {  	[spmem:s2] =	stream.indirect.scatter.add.f32 [tilespmem:s18], [sflag:$0x3], $0x80, s21, s17, $0xb8;
	[tilespmem:$0x1C800] =	vst v63  }
0xe6: {  	_ =	swait.ge [sflag:s15], $0x4000  }
0xe7: {  	[sflag:s15] =	ssyncset.done $0x0  }
0xe8: {  	[sflag:s15] =	ssyncadd.s32 $0xFFFFC000  }
0xe9: {  	[tilespmem:s14], [sflag:$0x1] =	stream.indirect.gather [hbm4b:s4+s17], $0x80, s22, s17, $0xb8;
	[tilespmem:$0x1C800] =	vst v63  }
0xea: {  	_ = 	snop  }
0xeb: {  	[tilespmem:s18], [sflag:$0x2] =	stream.indirect.gather [hbm4b:s4+s17], $0x80, s23, s17, $0xb8;
	[tilespmem:$0x1C800] =	vst v63  }
0xec: {  	_ =	swait.ge [sflag:s19], $0x4000  }
0xed: {  	[sflag:s19] =	ssyncset.done $0x0  }
0xee: {  	[sflag:s19] =	ssyncadd.s32 $0xFFFFC000  }
0xef: {  	[spmem:s2] =	stream.indirect.scatter.add.f32 [tilespmem:s14], [sflag:$0x3], $0x80, s24, s17, $0xb8;
	[tilespmem:$0x1C800] =	vst v63  }
0xf0: {  	_ =	swait.ge [sflag:s15], $0x4000  }
0xf1: {  	[sflag:s15] =	ssyncset.done $0x0  }
0xf2: {  	[sflag:s15] =	ssyncadd.s32 $0xFFFFC000  }
0xf3: {  	_ =	swait.ge [sflag:s20], $0x4000  }
0xf4: {  	[sflag:s20] =	ssyncset.done $0x0  }
0xf5: {  	[sflag:s20] =	ssyncadd.s32 $0xFFFFC000  }
0xf6: {  	[spmem:s2] =	stream.indirect.scatter.add.f32 [tilespmem:s18], [sflag:$0x3], $0x80, s25, s17, $0xb8;
	[tilespmem:$0x1C800] =	vst v63  }
0xf7: {  	_ =	swait.ge [sflag:s15], $0x4000  }
0xf8: {  	[sflag:s15] =	ssyncset.done $0x0  }
0xf9: {  	[sflag:s15] =	ssyncadd.s32 $0xFFFFC000  }
0xfa: {  	[tilespmem:s14], [sflag:$0x1] =	stream.indirect.gather [hbm4b:s4+s17], $0x80, s26, s17, $0xb8;
	[tilespmem:$0x1C800] =	vst v63  }
0xfb: {  	_ = 	snop  }
0xfc: {  	[tilespmem:s18], [sflag:$0x2] =	stream.indirect.gather [hbm4b:s4+s17], $0x80, s28, s17, $0xb8;
	[tilespmem:$0x1C800] =	vst v63  }
0xfd: {  	_ =	swait.ge [sflag:s19], $0x4000  }
0xfe: {  	[sflag:s19] =	ssyncset.done $0x0  }
0xff: {  	[sflag:s19] =	ssyncadd.s32 $0xFFFFC000  }
0x100: {  	[spmem:s2] =	stream.indirect.scatter.add.f32 [tilespmem:s14], [sflag:$0x3], $0x80, s29, s17, $0xb8;
	[tilespmem:$0x1C800] =	vst v63  }
0x101: {  	_ =	swait.ge [sflag:s15], $0x4000  }
0x102: {  	[sflag:s15] =	ssyncset.done $0x0  }
0x103: {  	[sflag:s15] =	ssyncadd.s32 $0xFFFFC000  }
0x104: {  	_ =	swait.ge [sflag:s20], $0x4000  }
0x105: {  	[sflag:s20] =	ssyncset.done $0x0  }
0x106: {  	[sflag:s20] =	ssyncadd.s32 $0xFFFFC000  }
0x107: {  	[spmem:s2] =	stream.indirect.scatter.add.f32 [tilespmem:s18], [sflag:$0x3], $0x80, s30, s17, $0xb8;
	[tilespmem:$0x1C800] =	vst v63  }
0x108: {  	_ =	swait.ge [sflag:s15], $0x4000  }
0x109: {  	[sflag:s15] =	ssyncset.done $0x0  }
0x10a: {  	[sflag:s15] =	ssyncadd.s32 $0xFFFFC000  }
0x10b: {  	[tilespmem:s14], [sflag:$0x1] =	stream.indirect.gather [hbm4b:s4+s17], $0x80, s31, s17, $0xb8;
	[tilespmem:$0x1C800] =	vst v63  }
0x10c: {  	_ = 	snop  }
0x10d: {  	[tilespmem:s18], [sflag:$0x2] =	stream.indirect.gather [hbm4b:s4+s17], $0x80, s1, s17, $0xb8;
	[tilespmem:$0x1C800] =	vst v63  }
0x10e: {  	_ =	swait.ge [sflag:s19], $0x4000  }
0x10f: {  	[sflag:s19] =	ssyncset.done $0x0  }
0x110: {  	[sflag:s19] =	ssyncadd.s32 $0xFFFFC000  }
0x111: {  	[spmem:s2] =	stream.indirect.scatter.add.f32 [tilespmem:s14], [sflag:$0x3], $0x80, s0, s17, $0xb8;
	[tilespmem:$0x1C800] =	vst v63  }
0x112: {  	_ =	swait.ge [sflag:s15], $0x4000  }
0x113: {  	[sflag:s15] =	ssyncset.done $0x0  }
0x114: {  	[sflag:s15] =	ssyncadd.s32 $0xFFFFC000  }
0x115: {  	_ =	swait.ge [sflag:s20], $0x4000  }
0x116: {  	[sflag:s20] =	ssyncset.done $0x0  }
0x117: {  	[sflag:s20] =	ssyncadd.s32 $0xFFFFC000  }
0x118: {  	[spmem:s2] =	stream.indirect.scatter.add.f32 [tilespmem:s18], [sflag:$0x3], $0x80, s6, s17, $0xb8;
	[tilespmem:$0x1C800] =	vst v63  }
0x119: {  	_ =	swait.ge [sflag:s15], $0x4000  }
0x11a: {  	[sflag:s15] =	ssyncset.done $0x0  }
0x11b: {  	[sflag:s15] =	ssyncadd.s32 $0xFFFFC000  }
0x11c: {  	s9 =	stileid.u32;
	[bflag:$0x0] =	sbarrier.arrive $0xFFFF  }
0x11d: {  	s5 =	sshll.u32 s9, $0x6;
	s10 =	rddreg [dreg:$0x4]  }
0x11e: {  	s5 =	sor.u32 $0x1C03, s5;
	s9 =	rddreg [dreg:$0x9];
	s8 =	sshrl.u32 s10, $0x3  }
0x11f: {  	[hbm:s9], [sflag:s5] =	dma.local [spmem:s8], $0x2800  }
0x120: {  	_ =	swait.ge [sflag:s15], $0x2800  }
0x121: {  	s7 =	sadd.s32 $0x1, s7;
	s11 =	rddreg [dreg:$0xa]  }
0x122: {  	p0 =	sne.s32 s7, s11  }
.Ltmp2:
0x123: {  	_ = 	snop;
	(pc) =	sbr.rel @p0 .LBB2_1-.Ltmp2, $3  }
0x124: {  	_ =	sdelay $0x1  }
0x125: {  	[sflag:s15] =	ssyncset.done $0x0  }
0x126: {  	[sflag:s15] =	ssyncadd.s32 $0xFFFFD800  }
0x127: {  	_ =	sfence.sel $0x180000  }
0x128: {  	[bflag:$0x0] =	sbarrier.arrive $0xFFFF  }
0x129: {  	_ =	strace $0x9000004A  }
0x12a: {  	s0 =	stileid.u32;
	[bflag:$0x2] =	sbarrier.arrive $0xFFFF  }
0x12b: {  	p0 =	sne.s32 s0, $0x0;
	s0 =	rddreg [dreg:$0x3]  }
0x12c: {  	s0 =	sadd.s32 @!p0 $0x100000, s0  }
0x12d: {  	[sflag:s0] =	ssyncadd.tile.s32 @!p0 $0x1;
	_ =	shalt  }
.Lfunc_end2:
_tile_overlayer_lowered:
.L_overlay_start_2:
0x12e: {  	(tag) =	ssettag $0x2  }
0x12f: {  	s0 =	rddreg [dreg:$0x0];
	s2 =	stileid.u32  }
0x130: {  	s1 =	rddreg [dreg:$0x1];
	p0 =	sne.s32 s2, $0x0  }
0x131: {  	s3 =	rddreg [dreg:$0x2];
	[bflag:$0x3] =	sbarrier.arrive $0xFFFF;
	s2 =	simm.s32 @!p0 $0x1C03  }
0x132: {  	[timem:s3], [sflag:s2] =	dma.local @!p0 [hbm:s0], s1  }
0x133: {  	s0 =	simm.s32 @!p0 $0x3  }
0x134: {  	_ =	swait.ge @!p0 [sflag:s0], s1  }
0x135: {  	s1 =	ssub.s32 @!p0 $0x0, s1;
	[sflag:s0] =	ssyncset.done @!p0 $0x0  }
0x136: {  	[sflag:s0] =	ssyncadd.s32 @!p0 s1  }
0x137: {  	[bflag:$0x3] =	sbarrier.arrive $0xFFFF  }
0x138: {  	_ =	shalt  }

// kernel: kernel.7.cloned.1.call-start
scs
__scs_entry_jumppad:
0x0: {  	(pc) =	sbr.rel $0x88, $3  }
0x1: {  	(tag) =	ssettag $0x0;
	lr =	simm.s32 $0x1  }
0x2: {  	[smem:$0x3F99] =	sst lr;
	_ =	strace $0xD0000000  }
0x3: {  	_ = 	snop  }
0x4: {  	_ = 	snop  }
0x5: {  	_ = 	snop  }
0x6: {  	_ = 	snop  }
0x7: {  	_ = 	snop  }
__scs_overlays_trampoline_lowered:
0x8: {  	[smem:$0x3FA8] =	sst s0  }
0x9: {  	[smem:$0x3FA9] =	sst s1  }
0xa: {  	[smem:$0x3FAA] =	sst s2  }
0xb: {  	[smem:$0x3FAB] =	sst s3  }
0xc: {  	[smem:$0x3FAC] =	sst s4  }
0xd: {  	[smem:$0x3FAD] =	sst s5  }
0xe: {  	[smem:$0x3FAE] =	sst s6  }
0xf: {  	[smem:$0x3FAF] =	sst s7  }
0x10: {  	[smem:$0x3FB0] =	sst s8  }
0x11: {  	[smem:$0x3FB1] =	sst s9;
	s0 =	simm.s32 @!p0 $0x0  }
0x12: {  	s1 =	sld [smem:$0x3F97];
	s0 =	simm.s32 @p0 $0x1  }
0x13: {  	[smem:$0x3FB2] =	sst s0;
	s0 =	simm.s32 @!p1 $0x0  }
0x14: {  	s2 =	sld [smem:$0x3F96];
	s0 =	simm.s32 @p1 $0x1  }
0x15: {  	[smem:$0x3FB3] =	sst s0;
	s0 =	simm.s32 @!p2 $0x0  }
0x16: {  	s3 =	sld [smem:$0x3FDB];
	s0 =	simm.s32 @p2 $0x1  }
0x17: {  	s4 =	simm.s32 $0x1BF5;
	[smem:$0x3FB5] =	sst s0  }
0x18: {  	s0 =	sld [smem:$0x3F98];
	_ =	swait.ge [sflag:s4], $0x0  }
0x19: {  	s7 =	sld [smem:$0x3F99]  }
0x1a: {  	s8 =	sadd.s32 $0xFFFFE003, lr  }
0x1b: {  	s9 =	sadd.s32 $0xFFFFFEF7, lr;
	s5 =	simm.s32 $0xFFFFFFFF;
	p2 =	slt.u32 s8, $0xFFFFF086  }
0x1c: {  	p1 =	slt.u32 s9, $0xF7A;
	s5 =	simm.s32 @!p2 $0x0  }
0x1d: {  	s5 =	simm.s32 @p1 $0x1;
	p0 =	seq.s32 s7, s2  }
0x1e: {  	s7 =	smul.u32 @!p0 $0xF7A, s2;
	p2 =	seq.s32 @!p0 s5, $0x0  }
0x1f: {  	s9 =	smul.u32 $0xF7A, s1;
	s8 =	simm.s32 @!p0 $0x1BF5;
	p2 =	por !p2, p0  }
0x20: {  	[sflag:s8] =	ssyncset.s32 @!p0 $0xFFFFF086;
	s6 =	sadd.s32 @!p0 s3, s7;
	s7 =	simm.s32 @!p0 $0x108  }
0x21: {  	s3 =	sadd.s32 s3, s9;
	s6 =	sadd.s32 @!p0 $0x88, s6;
	s7 =	simm.s32 @p2 $0x1082  }
0x22: {  	[simem:s7], [sflag:s8] =	dma.local @!p0 [hbm:s6], $0xF7A  }
0x23: {  	s9 =	sor.u32 $0xD0000000, s2;
	s6 =	simm.s32 $0x108;
	_ =	swait.ge @!p0 [sflag:s8], $0x0  }
0x24: {  	s3 =	sadd.s32 $0x88, s3;
	s6 =	simm.s32 @!p1 $0x1082;
	[sflag:s4] =	ssyncset.s32 $0xFFFFF086  }
0x25: {  	[simem:s6], [sflag:s4] =	dma.local [hbm:s3], $0xF7A  }
0x26: {  	[smem:$0x3F99] =	sst s1;
	(tag) =	ssettag s2;
	_ =	strace s9  }
0x27: {  	s1 =	sld [smem:$0x3FA9]  }
0x28: {  	s2 =	sld [smem:$0x3FAA]  }
0x29: {  	s4 =	sld [smem:$0x3FAC]  }
0x2a: {  	p0 =	seq.s32 s5, $0x0;
	s5 =	sld [smem:$0x3FAD]  }
0x2b: {  	s6 =	sld [smem:$0x3FAE]  }
0x2c: {  	s7 =	sld [smem:$0x3FAF]  }
0x2d: {  	s3 =	simm.s32 $0x108;
	s8 =	sld [smem:$0x3FB0]  }
0x2e: {  	s3 =	simm.s32 @!p0 $0x1082;
	s9 =	sld [smem:$0x3FB1]  }
0x2f: {  	lr =	sadd.s32 s0, s3;
	s0 =	sld [smem:$0x3FA8]  }
0x30: {  	s3 =	sld [smem:$0x3FAB]  }
0x31: {  	[smem:$0x3FB4] =	sst s10  }
0x32: {  	s10 =	sld [smem:$0x3FB2];
	_ =	sdelay $0x3  }
0x33: {  	p0 =	seq.s32 s10, $0x1;
	s10 =	sld [smem:$0x3FB4];
	_ =	sdelay $0x3  }
0x34: {  	[smem:$0x3FB4] =	sst s10  }
0x35: {  	s10 =	sld [smem:$0x3FB3];
	_ =	sdelay $0x3  }
0x36: {  	p1 =	seq.s32 s10, $0x1;
	s10 =	sld [smem:$0x3FB4];
	_ =	sdelay $0x3  }
0x37: {  	[smem:$0x3FB4] =	sst s10  }
0x38: {  	s10 =	sld [smem:$0x3FB5]  }
0x39: {  	_ = 	snop;
	(pc) =	sbr.ind lr, $3  }
0x3a: {  	_ = 	snop  }
0x3b: {  	_ = 	snop  }
0x3c: {  	p2 =	seq.s32 s10, $0x1;
	s10 =	sld [smem:$0x3FB4]  }
0x3d: {  	_ =	shalt  }
0x3e: {  	_ =	shalt  }
0x3f: {  	_ =	shalt  }
0x40: {  	_ =	shalt  }
0x41: {  	_ =	shalt  }
0x42: {  	_ =	shalt  }
0x43: {  	_ =	shalt  }
0x44: {  	_ =	shalt  }
0x45: {  	_ =	shalt  }
0x46: {  	_ =	shalt  }
0x47: {  	_ =	shalt  }
0x48: {  	_ =	shalt  }
0x49: {  	_ =	shalt  }
0x4a: {  	_ =	shalt  }
0x4b: {  	_ =	shalt  }
0x4c: {  	_ =	shalt  }
0x4d: {  	_ =	shalt  }
0x4e: {  	_ =	shalt  }
0x4f: {  	_ =	shalt  }
0x50: {  	_ =	shalt  }
0x51: {  	_ =	shalt  }
0x52: {  	_ =	shalt  }
0x53: {  	_ =	shalt  }
0x54: {  	_ =	shalt  }
0x55: {  	_ =	shalt  }
0x56: {  	_ =	shalt  }
0x57: {  	_ =	shalt  }
0x58: {  	_ =	shalt  }
0x59: {  	_ =	shalt  }
0x5a: {  	_ =	shalt  }
0x5b: {  	_ =	shalt  }
0x5c: {  	_ =	shalt  }
0x5d: {  	_ =	shalt  }
0x5e: {  	_ =	shalt  }
0x5f: {  	_ =	shalt  }
0x60: {  	_ =	shalt  }
0x61: {  	_ =	shalt  }
0x62: {  	_ =	shalt  }
0x63: {  	_ =	shalt  }
0x64: {  	_ =	shalt  }
0x65: {  	_ =	shalt  }
0x66: {  	_ =	shalt  }
0x67: {  	_ =	shalt  }
0x68: {  	_ =	shalt  }
0x69: {  	_ =	shalt  }
0x6a: {  	_ =	shalt  }
0x6b: {  	_ =	shalt  }
0x6c: {  	_ =	shalt  }
0x6d: {  	_ =	shalt  }
0x6e: {  	_ =	shalt  }
0x6f: {  	_ =	shalt  }
0x70: {  	_ =	shalt  }
0x71: {  	_ =	shalt  }
0x72: {  	_ =	shalt  }
0x73: {  	_ =	shalt  }
0x74: {  	_ =	shalt  }
0x75: {  	_ =	shalt  }
0x76: {  	_ =	shalt  }
0x77: {  	_ =	shalt  }
0x78: {  	_ =	shalt  }
0x79: {  	_ =	shalt  }
0x7a: {  	_ =	shalt  }
0x7b: {  	_ =	shalt  }
0x7c: {  	_ =	shalt  }
0x7d: {  	_ =	shalt  }
0x7e: {  	_ =	shalt  }
0x7f: {  	_ =	shalt  }
0x80: {  	_ =	shalt  }
0x81: {  	_ =	shalt  }
0x82: {  	_ =	shalt  }
0x83: {  	_ =	shalt  }
0x84: {  	_ =	shalt  }
0x85: {  	_ =	shalt  }
0x86: {  	_ =	shalt  }
0x87: {  	_ =	shalt  }
.Lfunc_end0:
.L_simem_size_0:
called_computation_lowered:
.L_overlay_start_0:
0x88: {  	s2 =	sld [smem:$0x3FD9]  }
0x89: {  	s3 =	sld [smem:$0x3FFE];
	_ =	sdelay $0x1  }
0x8a: {  	s1 =	srdreg.scid  }
0x8b: {  	s0 =	sand.u32 $0x1, s1  }
0x8c: {  	s17 =	sshll.u32 s0, $0xA;
	s2 =	sadd.s32 s3, s2  }
0x8d: {  	s2 =	sadd.s32 s2, s17  }
0x8e: {  	[smem:$0x3FC0] =	sst s2  }
0x8f: {  	_ = 	snop  }
0x90: {  	s2 =	sld [smem:$0x3FD0];
	(tm) =	ssettm $0x1  }
0x91: {  	s18 =	sld [smem:$0x3FFB];
	_ =	sdelay $0x3  }
0x92: {  	_ =	strace s18  }
0x93: {  	s3 =	sld [smem:$0x3FFC];
	_ =	sdelay $0x3  }
0x94: {  	_ =	strace s3  }
0x95: {  	s3 =	sld [smem:$0x3FFD];
	_ =	sdelay $0x3  }
0x96: {  	_ =	strace s3  }
0x97: {  	_ =	strace $0x8FFFFFFF  }
0x98: {  	s19 =	sld [smem:$0x3FDB];
	_ =	sdelay $0x1  }
0x99: {  	s4 =	simm.s32 $_scs_section_size  }
0x9a: {  	s5 =	simm.s32 $_size__tile_overlayer_lowered;
	s6 =	simm.s32 $_tile_overlayer_lowered  }
0x9b: {  	s22 =	simm.s32 $0x1BFF;
	s21 =	sshll.u32 s6, $0x1;
	s3 =	sadd.s32 s4, s19  }
0x9c: {  	s7 =	simm.s32 $0x0;
	s20 =	sshll.u32 s5, $0x1;
	s5 =	sadd.s32 s21, s3  }
0x9d: {  	[timem:s7], [sflag:s22] =	dma.local [hbm:s5], s20  }
0x9e: {  	_ =	swait.ge [sflag:s22], s20  }
0x9f: {  	s4 =	ssub.s32 $0x0, s20;
	[sflag:s22] =	ssyncset.done $0x0  }
0xa0: {  	[sflag:s22] =	ssyncadd.s32 s4;
	_ =	sdelay $0x1  }
0xa1: {  	s23 =	simm.s32 $0x1B8B  }
0xa2: {  	_ =	swait.ge [sflag:s23], $0x1  }
0xa3: {  	[sflag:s23] =	ssyncset.done $0x0  }
0xa4: {  	s25 =	simm.s32 $0x1B8E;
	s24 =	sld [smem:$0x3FFE];
	[sflag:s23] =	ssyncadd.s32 $0xFFFFFFFF  }
0xa5: {  	s26 =	simm.s32 $execute0_lowered;
	[smem:$0x3FD2] =	sst s25  }
0xa6: {  	s5 =	sshll.u32 s26, $0x1;
	_ =	strace $0x80000046;
	[dreg:$0x1] =	wrdreg $0xFFFFFFFF  }
0xa7: {  	s28 =	simm.s32 $_size_execute0_lowered;
	s3 =	sadd.s32 s3, s5;
	[dreg:$0x0] =	wrdreg $0x0  }
0xa8: {  	s5 =	sshll.u32 s28, $0x1;
	[dreg:$0x2] =	wrdreg s3  }
0xa9: {  	[dreg:$0x3] =	wrdreg s5  }
0xaa: {  	[dreg:$0x4] =	wrdreg $0xC0  }
0xab: {  	_ =	task [dreg:s7], $0x5FFFF  }
0xac: {  	[dreg:$0x1] =	wrdreg $0xFFFFFFFF  }
0xad: {  	[dreg:$0x0] =	wrdreg $0x60  }
0xae: {  	[dreg:$0x2] =	wrdreg s24  }
0xaf: {  	[dreg:$0x3] =	wrdreg s2  }
0xb0: {  	[dreg:$0x4] =	wrdreg $0x88000  }
0xb1: {  	[dreg:$0x5] =	wrdreg $0x1F0800  }
0xb2: {  	[dreg:$0x6] =	wrdreg $0x9  }
0xb3: {  	_ =	task.clear_ibuf [dreg:s7], $0x7FFFF;
	_ =	strace $0x90000046  }
0xb4: {  	s29 =	simm.s32 $0x9;
	_ =	strace $0x80000048  }
0xb5: {  	_ =	swait.ge [sflag:s29], $0x1  }
0xb6: {  	[sflag:s29] =	ssyncadd.s32 $0xFFFFFFFF  }
0xb7: {  	_ =	strace $0x90000048  }
0xb8: {  	_ =	sfence  }
0xb9: {  	s30 =	sld [smem:$0x0];
	_ =	sdelay $0x2  }
0xba: {  	s31 =	sshll.u32 s1, $0xD;
	s1 =	sshrl.u32 s1, $0x2  }
0xbb: {  	s3 =	sand.u32 $0x4000, s31;
	s1 =	sadd.s32 s1, s30  }
0xbc: {  	s0 =	sor.u32 s3, s0;
	s1 =	sshll.u32 s1, $0x11  }
0xbd: {  	s0 =	sor.u32 s1, s0  }
0xbe: {  	s0 =	sadd.s32 $0x8F2B, s0  }
0xbf: {  	[sflag:s0] =	ssyncadd.remote.s32 $0x1  }
0xc0: {  	_ =	sfence.sel $0xFFFF  }
0xc1: {  	[dreg:$0x0] =	wrdreg $0xFFFFFFFF;
	(pc) =	sbr.abs _section_cstart, $3  }
0xc2: {  	[dreg:$0x1] =	wrdreg $0xFFFFFFFF  }
0xc3: {  	_ =	task.clear_ibuf [dreg:s7], $0x2FFFF;
	_ =	strace $0x9FFFFFFF  }
0xc4: {  	(tm) =	ssettm $0x7FFFFFFF  }
0xc5: {  	_ =	shalt  }
tec
execute0_lowered:
.L_overlay_start_1:
0x0: {  	(tag) =	ssettag $0x1  }
0x1: {  	s1 =	rddreg [dreg:$0x0]  }
0x2: {  	s0 =	rddreg [dreg:$0x1]  }
0x3: {  	s3 =	rddreg [dreg:$0x2];
	s2 =	srdreg.scid  }
0x4: {  	s4 =	rddreg [dreg:$0x3];
	s24 =	stileid.u32  }
0x5: {  	s5 =	simm.s32 $0x0;
	s18 =	simm.s32 $0x800;
	s19 =	simm.s32 $0x3  }
0x6: {  	s20 =	simm.s32 $0x400;
	s21 =	simm.s32 $0x80;
	s22 =	simm.s32 $0x4800  }
0x7: {  	s23 =	simm.s32 $0x1C800;
	s28 =	simm.s32 $0x1F000;
	s29 =	simm.s32 $0x0  }
0x8: {  	s8 =	sand.u32 $0x1, s2;
	s10 =	smul.u32 $0x14000, s24;
	[smem:$0x7FF] =	sst s5  }
0x9: {  	s6 =	sadd.s32 $0xBC00, s1;
	s13 =	sshll.u32 s24, $0xA;
	s26 =	smul.u32 $0x50000, s24  }
0xa: {  	s7 =	sadd.s32 $0x1C00, s1;
	p0 =	sgt.u32 s24, $0x9;
	s9 =	smul.u32 $0x140000, s8  }
0xb: {  	s11 =	smul.u32 $0x2800, s8;
	s30 =	ssub.s32 $0x2, s8;
	s8 =	sshll.u32 s8, $0x4  }
0xc: {  	_ =	strace $0x80000047;
	s31 =	sshrl.u32 s30, $0x1;
	s14 =	sor.u32 s24, s8  }
0xd: {  	s24 =	simm.s32 $0x1;
	s9 =	sadd.s32 s10, s9;
	s25 =	sadd.s32 s13, s11  }
0xe: {  	s11 =	sshrl.u32 s26, $0x2;
	s17 =	ssub.s32 s30, s31;
	s13 =	sadd.s32 s13, s4  }
0xf: {  	s14 =	smul.u32 $0x2800, s14;
	s26 =	simm.s32 $0x50;
	s9 =	sshrl.u32 s9, $0x3  }
0x10: {  	s10 =	sshrl.u32 s25, $0x3;
	s8 =	sadd.s32 s11, s3;
	s17 =	smax.u32 s17, $0x1  }
0x11: {  	v0 =	vlaneseq.u32;
	s25 =	simm.s32 $0x2;
	s15 =	sadd.s32 s9, s1;
	s1 =	sadd.s32 s10, s1  }
0x12: {  	v1 =	vimm.f32 $0.0e+00;
	v6 =	vimm.f32 $1.000000000e+00;
	v2 =	vor.u32 $0x10, v0;
	s9 =	sadd.s32 $0x4000, s8;
	s10 =	sadd.s32 $0x8000, s8;
	s11 =	sadd.s32 $0xC000, s8  }
0x13: {  	v3 =	vor.u32 $0x20, v0;
	v4 =	vor.u32 $0x30, v0;
	v5 =	vor.u32 $0x40, v0;
	s12 =	sadd.s32 $0x10000, s8;
	s15 =	sadd.s32 $0x34600, s15;
	s16 =	sadd.s32 $0x33C00, s1  }
.LBB2_1:
0x14: {  	s1 =	sand.u32 $0xFE00, s5  }
0x15: {  	s30 =	sand.u32 $0x70, s5;
	s31 =	sshrl.u32 s1, $0x2  }
0x16: {  	s1 =	simm.s32 $0x40;
	s31 =	sor.u32 s30, s31;
	s30 =	simm.s32 $0x0  }
.LBB2_2:
0x17: {  	p1 =	sne.s32 s1, $0xFFC0  }
0x18: {  	[tilespmem:s31+$0x800] =	vst v1;
	s30 =	sadd.s32 $0x10, s30;
	s31 =	smov.u32 s1;
	s1 =	sadd.s32 $0x40, s1  }
.Ltmp0:
0x19: {  	(pc) =	sbr.rel @p1 .LBB2_2-.Ltmp0, $4  }
0x1a: {  	_ = 	snop  }
0x1b: {  	s31 =	sand.u32 $0xFE00, s31  }
0x1c: {  	s4 =	sand.u32 $0x70, s30;
	s31 =	sshrl.u32 s31, $0x2  }
0x1d: {  	s31 =	sor.u32 s4, s31  }
0x1e: {  	[tilespmem:s31+$0x800] =	vst v1  }
0x1f: {  	[spmem:s8] =	stream.linear.scatter [tilespmem:s18], [sflag:$0x3], $0x4000, $0x38;
	[tilespmem:$0x1F300] =	vst v63  }
0x20: {  	_ =	swait.ge [sflag:s19], $0x4000  }
0x21: {  	[sflag:s19] =	ssyncset.done $0x0  }
0x22: {  	[sflag:s19] =	ssyncadd.s32 $0xFFFFC000  }
0x23: {  	[spmem:s9] =	stream.linear.scatter [tilespmem:s18], [sflag:$0x3], $0x4000, $0x38;
	[tilespmem:$0x1F300] =	vst v63  }
0x24: {  	_ =	swait.ge [sflag:s19], $0x4000  }
0x25: {  	[sflag:s19] =	ssyncset.done $0x0  }
0x26: {  	[sflag:s19] =	ssyncadd.s32 $0xFFFFC000  }
0x27: {  	[spmem:s10] =	stream.linear.scatter [tilespmem:s18], [sflag:$0x3], $0x4000, $0x38;
	[tilespmem:$0x1F300] =	vst v63  }
0x28: {  	_ =	swait.ge [sflag:s19], $0x4000  }
0x29: {  	[sflag:s19] =	ssyncset.done $0x0  }
0x2a: {  	[sflag:s19] =	ssyncadd.s32 $0xFFFFC000  }
0x2b: {  	[spmem:s11] =	stream.linear.scatter [tilespmem:s18], [sflag:$0x3], $0x4000, $0x38;
	[tilespmem:$0x1F300] =	vst v63  }
0x2c: {  	_ =	swait.ge [sflag:s19], $0x4000  }
0x2d: {  	[sflag:s19] =	ssyncset.done $0x0  }
0x2e: {  	s1 =	simm.s32 $0x0;
	[sflag:s19] =	ssyncadd.s32 $0xFFFFC000  }
0x2f: {  	[spmem:s12] =	stream.linear.scatter [tilespmem:s18], [sflag:$0x3], $0x4000, $0x38;
	[tilespmem:$0x1F300] =	vst v63  }
0x30: {  	s4 =	sand.u32 $0xFE00, s1;
	_ =	swait.ge [sflag:s19], $0x4000  }
0x31: {  	s31 =	sand.u32 $0x70, s1;
	s4 =	sshrl.u32 s4, $0x2;
	[sflag:s19] =	ssyncset.done $0x0  }
0x32: {  	s30 =	simm.s32 $0x40;
	s31 =	sor.u32 s31, s4;
	[sflag:s19] =	ssyncadd.s32 $0xFFFFC000  }
.LBB2_4:
0x33: {  	p1 =	sne.s32 s30, $0x9FC0  }
0x34: {  	[tilespmem:s31+$0x1C800] =	vst v1;
	s1 =	sadd.s32 $0x10, s1;
	s4 =	smov.u32 s30;
	s30 =	sadd.s32 $0x40, s30  }
.Ltmp1:
0x35: {  	(pc) =	sbr.rel @p1 .LBB2_4-.Ltmp1, $4  }
0x36: {  	_ = 	snop  }
0x37: {  	s4 =	sand.u32 $0xFE00, s4  }
0x38: {  	s31 =	sand.u32 $0x70, s1;
	s4 =	sshrl.u32 s4, $0x2  }
0x39: {  	s31 =	sor.u32 s31, s4  }
0x3a: {  	[tilespmem:s31+$0x1C800] =	vst v1  }
0x3b: {  	[tilespmem:$0x1F000] =	vst v0  }
0x3c: {  	[tilespmem:$0x1F010] =	vst v2  }
0x3d: {  	[tilespmem:$0x1F020] =	vst v3  }
0x3e: {  	[tilespmem:$0x1F030] =	vst v4  }
0x3f: {  	s1 =	simm.s32 @!p0 $0x1C800;
	[tilespmem:$0x1F040] =	vst v5  }
0x40: {  	[spmem:s13] =	stream.linear.scatter @!p0 [tilespmem:s1], [sflag:$0x3], $0x400, $0x38;
	[tilespmem:$0x1F300] =	vst v63  }
0x41: {  	s1 =	simm.s32 @!p0 $0x3  }
0x42: {  	_ =	swait.ge @!p0 [sflag:s1], $0x400  }
0x43: {  	[sflag:s1] =	ssyncset.done @!p0 $0x0  }
0x44: {  	[sflag:s1] =	ssyncadd.s32 @!p0 $0xFFFFFC00  }
0x45: {  	s30 =	simm.s32 $0x0;
	s31 =	simm.s32 $0x0;
	[bflag:$0x0] =	sbarrier.arrive $0xFFFF  }
.LBB2_6:
0x46: {  	s1 =	sshll.u32 s31, $0xA  }
0x47: {  	s1 =	sadd.s32 s14, s1  }
0x48: {  	s1 =	sshrl.u32 s1, $0x3  }
0x49: {  	s4 =	sadd.s32 s0, s1  }
0x4a: {  	[tilespmem:s30], [sflag:$0x3] =	stream.linear.gather [hbm4b:s4+s30], $0x400, $0x38;
	[tilespmem:$0x1F300] =	vst v63  }
0x4b: {  	_ =	swait.ge [sflag:s19], $0x400  }
0x4c: {  	[sflag:s19] =	ssyncset.done $0x0  }
0x4d: {  	s1 =	sadd.s32 s7, s1;
	[sflag:s19] =	ssyncadd.s32 $0xFFFFFC00  }
0x4e: {  	[tilespmem:s20], [sflag:$0x3] =	stream.linear.gather [hbm4b:s1+s30], $0x400, $0x38;
	[tilespmem:$0x1F300] =	vst v63  }
0x4f: {  	_ =	swait.ge [sflag:s19], $0x400  }
0x50: {  	[sflag:s19] =	ssyncset.done $0x0  }
0x51: {  	s1 =	simm.s32 $0x0;
	[sflag:s19] =	ssyncadd.s32 $0xFFFFFC00  }
.LBB2_7:
0x52: {  	s4 =	sshra.s32 s1, $0x2  }
0x53: {  	[tilespmem:s18], [sflag:$0x1] =	stream.indirect.gather [hbm4b:s6+s21], $0x80, s4, s21, $0xb8;
	[tilespmem:$0x1F300] =	vst v63  }
0x54: {  	s2 =	sadd.s32 $0x80, s4  }
0x55: {  	[tilespmem:s22], [sflag:$0x2] =	stream.indirect.gather [hbm4b:s6+s21], $0x80, s2, s21, $0xb8;
	[tilespmem:$0x1F300] =	vst v63  }
0x56: {  	v7 =	vld [tilespmem:s4+$0x400];
	_ =	sdelay $0x7  }
0x57: {  	[tilespmem:v7+s23+$0x0] =	vst.idx.add.f32.msk $0xffff, v6  }
0x58: {  	v7 =	vld [tilespmem:s4+$0x410];
	_ =	sdelay $0x7  }
0x59: {  	[tilespmem:v7+s23+$0x0] =	vst.idx.add.f32.msk $0xffff, v6  }
0x5a: {  	v7 =	vld [tilespmem:s4+$0x420];
	_ =	sdelay $0x7  }
0x5b: {  	[tilespmem:v7+s23+$0x0] =	vst.idx.add.f32.msk $0xffff, v6  }
0x5c: {  	v7 =	vld [tilespmem:s4+$0x430];
	_ =	sdelay $0x7  }
0x5d: {  	[tilespmem:v7+s23+$0x0] =	vst.idx.add.f32.msk $0xffff, v6  }
0x5e: {  	v7 =	vld [tilespmem:s4+$0x440];
	_ =	sdelay $0x7  }
0x5f: {  	[tilespmem:v7+s23+$0x0] =	vst.idx.add.f32.msk $0xffff, v6  }
0x60: {  	v7 =	vld [tilespmem:s4+$0x450];
	_ =	sdelay $0x7  }
0x61: {  	[tilespmem:v7+s23+$0x0] =	vst.idx.add.f32.msk $0xffff, v6  }
0x62: {  	v7 =	vld [tilespmem:s4+$0x460];
	_ =	sdelay $0x7  }
0x63: {  	[tilespmem:v7+s23+$0x0] =	vst.idx.add.f32.msk $0xffff, v6  }
0x64: {  	v7 =	vld [tilespmem:s4+$0x470];
	_ =	sdelay $0x7  }
0x65: {  	[tilespmem:v7+s23+$0x0] =	vst.idx.add.f32.msk $0xffff, v6  }
0x66: {  	v7 =	vld [tilespmem:s4+$0x480];
	_ =	sdelay $0x7  }
0x67: {  	[tilespmem:v7+s23+$0x0] =	vst.idx.add.f32.msk $0xffff, v6  }
0x68: {  	v7 =	vld [tilespmem:s4+$0x490];
	_ =	sdelay $0x7  }
0x69: {  	[tilespmem:v7+s23+$0x0] =	vst.idx.add.f32.msk $0xffff, v6  }
0x6a: {  	v7 =	vld [tilespmem:s4+$0x4A0];
	_ =	sdelay $0x7  }
0x6b: {  	[tilespmem:v7+s23+$0x0] =	vst.idx.add.f32.msk $0xffff, v6  }
0x6c: {  	v7 =	vld [tilespmem:s4+$0x4B0];
	_ =	sdelay $0x7  }
0x6d: {  	[tilespmem:v7+s23+$0x0] =	vst.idx.add.f32.msk $0xffff, v6  }
0x6e: {  	v7 =	vld [tilespmem:s4+$0x4C0];
	_ =	sdelay $0x7  }
0x6f: {  	[tilespmem:v7+s23+$0x0] =	vst.idx.add.f32.msk $0xffff, v6  }
0x70: {  	v7 =	vld [tilespmem:s4+$0x4D0];
	_ =	sdelay $0x7  }
0x71: {  	[tilespmem:v7+s23+$0x0] =	vst.idx.add.f32.msk $0xffff, v6  }
0x72: {  	v7 =	vld [tilespmem:s4+$0x4E0];
	_ =	sdelay $0x7  }
0x73: {  	[tilespmem:v7+s23+$0x0] =	vst.idx.add.f32.msk $0xffff, v6  }
0x74: {  	v7 =	vld [tilespmem:s4+$0x4F0];
	_ =	sdelay $0x7  }
0x75: {  	[tilespmem:v7+s23+$0x0] =	vst.idx.add.f32.msk $0xffff, v6  }
0x76: {  	_ =	swait.ge [sflag:s24], $0x4000  }
0x77: {  	[sflag:s24] =	ssyncset.done $0x0  }
0x78: {  	s2 =	sadd.s32 $0x400, s4;
	[sflag:s24] =	ssyncadd.s32 $0xFFFFC000  }
0x79: {  	[spmem:s3] =	stream.indirect.scatter.add.f32 [tilespmem:s18], [sflag:$0x3], $0x80, s2, s21, $0xb8;
	[tilespmem:$0x1F300] =	vst v63  }
0x7a: {  	_ =	swait.ge [sflag:s19], $0x4000  }
0x7b: {  	[sflag:s19] =	ssyncset.done $0x0  }
0x7c: {  	[sflag:s19] =	ssyncadd.s32 $0xFFFFC000  }
0x7d: {  	_ =	swait.ge [sflag:s25], $0x4000  }
0x7e: {  	p1 =	sne.s32 s1, $0xC00;
	[sflag:s25] =	ssyncset.done $0x0  }
.Ltmp2:
0x7f: {  	s4 =	sadd.s32 $0x480, s4;
	[sflag:s25] =	ssyncadd.s32 $0xFFFFC000;
	(pc) =	sbr.rel @p1 .LBB2_7-.Ltmp2, $4  }
0x80: {  	[spmem:s3] =	stream.indirect.scatter.add.f32 [tilespmem:s22], [sflag:$0x3], $0x80, s4, s21, $0xb8;
	[tilespmem:$0x1F300] =	vst v63  }
0x81: {  	_ =	swait.ge [sflag:s19], $0x4000  }
0x82: {  	[sflag:s19] =	ssyncset.done $0x0  }
0x83: {  	s1 =	sadd.s32 $0x400, s1;
	[sflag:s19] =	ssyncadd.s32 $0xFFFFC000  }
0x84: {  	s31 =	sadd.s32 $0x1, s31  }
0x85: {  	p1 =	sne.s32 s31, $0xA  }
.Ltmp3:
0x86: {  	_ = 	snop;
	(pc) =	sbr.rel @p1 .LBB2_6-.Ltmp3, $1  }
0x87: {  	_ =	sdelay $0x3  }
0x88: {  	s1 =	stileid.u32  }
0x89: {  	s1 =	sshll.u32 s1, $0x6  }
0x8a: {  	[bflag:$0x0] =	sbarrier.arrive $0xFFFF;
	s2 =	sshrl.u32 s8, $0x3;
	s1 =	sor.u32 $0x1C03, s1  }
0x8b: {  	[hbm:s15], [sflag:s1] =	dma.local [spmem:s2], $0x2800  }
0x8c: {  	_ =	swait.ge [sflag:s19], $0x2800  }
0x8d: {  	[sflag:s19] =	ssyncset.done $0x0  }
0x8e: {  	[sflag:s19] =	ssyncadd.s32 $0xFFFFD800  }
0x8f: {  	s31 =	rddreg [dreg:$0x3]  }
0x90: {  	[spmem:s31] =	stream.indirect.scatter.add.f32 [tilespmem:s23], [sflag:$0x3], $0x80, s28, s26, $0xb8;
	[tilespmem:$0x1F300] =	vst v63  }
0x91: {  	_ =	swait.ge [sflag:s19], $0x2800  }
0x92: {  	[sflag:s19] =	ssyncset.done $0x0  }
0x93: {  	s29 =	sadd.s32 $0x1, s29;
	[sflag:s19] =	ssyncadd.s32 $0xFFFFD800  }
0x94: {  	p1 =	sne.s32 s29, s17;
	s2 =	sshrl.u32 @!p0 s13, $0x3;
	[bflag:$0x0] =	sbarrier.arrive $0xFFFF  }
0x95: {  	[hbm:s16], [sflag:s1] =	dma.local @!p0 [spmem:s2], $0x80  }
.Ltmp4:
0x96: {  	_ = 	snop;
	(pc) =	sbr.rel @p1 .LBB2_1-.Ltmp4, $4  }
0x97: {  	s1 =	simm.s32 @!p0 $0x3  }
0x98: {  	_ =	swait.ge @!p0 [sflag:s1], $0x80  }
0x99: {  	[sflag:s1] =	ssyncset.done @!p0 $0x0  }
0x9a: {  	[sflag:s1] =	ssyncadd.s32 @!p0 $0xFFFFFF80  }
0x9b: {  	_ =	sfence.sel $0x180000  }
0x9c: {  	[bflag:$0x0] =	sbarrier.arrive $0xFFFF  }
0x9d: {  	_ =	strace $0x90000047  }
0x9e: {  	s0 =	stileid.u32;
	[bflag:$0x2] =	sbarrier.arrive $0xFFFF  }
0x9f: {  	p0 =	sne.s32 s0, $0x0;
	s0 =	rddreg [dreg:$0x4]  }
0xa0: {  	s0 =	sadd.s32 @!p0 $0x100000, s0  }
0xa1: {  	[sflag:s0] =	ssyncadd.tile.s32 @!p0 $0x1;
	_ =	shalt  }
.Lfunc_end2:
_tile_overlayer_lowered:
.L_overlay_start_2:
0xa2: {  	(tag) =	ssettag $0x2  }
0xa3: {  	s0 =	rddreg [dreg:$0x0];
	s2 =	stileid.u32  }
0xa4: {  	s1 =	rddreg [dreg:$0x1];
	p0 =	sne.s32 s2, $0x0  }
0xa5: {  	s3 =	rddreg [dreg:$0x2];
	[bflag:$0x3] =	sbarrier.arrive $0xFFFF;
	s2 =	simm.s32 @!p0 $0x1C03  }
0xa6: {  	[timem:s3], [sflag:s2] =	dma.local @!p0 [hbm:s0], s1  }
0xa7: {  	s0 =	simm.s32 @!p0 $0x3  }
0xa8: {  	_ =	swait.ge @!p0 [sflag:s0], s1  }
0xa9: {  	s1 =	ssub.s32 @!p0 $0x0, s1;
	[sflag:s0] =	ssyncset.done @!p0 $0x0  }
0xaa: {  	[sflag:s0] =	ssyncadd.s32 @!p0 s1  }
0xab: {  	[bflag:$0x3] =	sbarrier.arrive $0xFFFF  }
0xac: {  	_ =	shalt  }

</sc_bundles>
